<compile_context>
chip_gen: v7x
topology: tpu7x:2x2x1
jax: 0.10.2.dev20260603
libtpu: 0.0.44.dev20260713+nightly
codegen_flags: <defaults>
</compile_context>

<pallas_src>
import functools

import jax
import jax.numpy as jnp
from jax import lax
from jax.experimental import pallas as pl
from jax.experimental.pallas import tpu as pltpu
from jax.experimental.pallas import tpu_sc as plsc

NC = 2
NS = 16
CH = 128



def _stage1_body(x_ref, w_ref, n_ref, o_ref):
    h = jnp.dot(x_ref[...], w_ref[...], preferred_element_type=jnp.float32)
    h = h * n_ref[...]
    d2 = h.shape[1] // 2
    o_ref[0] = h[:, :d2]
    o_ref[1] = h[:, d2:]


def _tc_stage1(x, w, norm, block_rows=1000):
    n_rows, d_in = x.shape
    d_out = w.shape[1]
    grid = (n_rows // block_rows,)
    return pl.pallas_call(
        _stage1_body,
        grid=grid,
        in_specs=[
            pl.BlockSpec((block_rows, d_in), lambda i: (i, 0)),
            pl.BlockSpec((d_in, d_out), lambda i: (0, 0)),
            pl.BlockSpec((block_rows, 1), lambda i: (i, 0)),
        ],
        out_specs=pl.BlockSpec((2, block_rows, d_out // 2), lambda i: (0, i, 0)),
        out_shape=jax.ShapeDtypeStruct((2, n_rows, d_out // 2), jnp.float32),
    )(x, w, norm)


def _stage2_body(p_ref, n_ref, w_ref, o_ref):
    nrm = n_ref[...]
    h = jnp.concatenate([p_ref[0], p_ref[1]], axis=1)
    h = jax.nn.relu(h * nrm)
    h = jnp.dot(h, w_ref[...], preferred_element_type=jnp.float32) * nrm
    d2 = h.shape[1] // 2
    o_ref[0] = h[:, :d2]
    o_ref[1] = h[:, d2:]


def _tc_stage2(p, norm, w, block_rows=1000):
    n_rows = p.shape[1]
    d_in = 2 * p.shape[2]
    d_out = w.shape[1]
    grid = (n_rows // block_rows,)
    return pl.pallas_call(
        _stage2_body,
        grid=grid,
        in_specs=[
            pl.BlockSpec((2, block_rows, d_in // 2), lambda i: (0, i, 0)),
            pl.BlockSpec((block_rows, 1), lambda i: (i, 0)),
            pl.BlockSpec((d_in, d_out), lambda i: (0, 0)),
        ],
        out_specs=pl.BlockSpec((2, block_rows, d_out // 2), lambda i: (0, i, 0)),
        out_shape=jax.ShapeDtypeStruct((2, n_rows, d_out // 2), jnp.float32),
    )(p, norm, w)


def _stage3_body(q_ref, n_ref, o_ref):
    o_ref[...] = jnp.concatenate([q_ref[0], q_ref[1]], axis=1) * n_ref[...]


def _tc_stage3(q, norm, block_rows=1000):
    n_rows = q.shape[1]
    d = 2 * q.shape[2]
    grid = (n_rows // block_rows,)
    return pl.pallas_call(
        _stage3_body,
        grid=grid,
        in_specs=[
            pl.BlockSpec((2, block_rows, d // 2), lambda i: (0, i, 0)),
            pl.BlockSpec((block_rows, 1), lambda i: (i, 0)),
        ],
        out_specs=pl.BlockSpec((block_rows, d), lambda i: (i, 0)),
        out_shape=jax.ShapeDtypeStruct((n_rows, d), jnp.float32),
    )(q, norm)



@functools.cache
def _make_sc_segsum(n_nodes, d2, chunks_per_tile, n_pad):
    rows_per_tile_pad = n_pad // NS
    rows_per_tile_out = (n_nodes // NS) // 8 * 8
    tail_start = rows_per_tile_out * NS
    tail_rows = n_nodes - tail_start
    cpt = chunks_per_tile
    mesh = plsc.VectorSubcoreMesh(core_axis_name="c", subcore_axis_name="s")

    @functools.partial(
        pl.kernel,
        out_type=jax.ShapeDtypeStruct((NC, n_nodes, d2), jnp.float32),
        mesh=mesh,
        scratch_types=[
            pltpu.VMEM((cpt, CH), jnp.int32),
            pltpu.VMEM((cpt, CH), jnp.int32),
            pltpu.VMEM((2, CH, d2), jnp.float32),
            pltpu.VMEM((CH, d2), jnp.float32),
            pltpu.VMEM_SHARED((n_pad, d2), jnp.float32),
            pltpu.SemaphoreType.DMA,
        ],
        compiler_params=pltpu.CompilerParams(use_tc_tiling_on_sc=False),
    )
    def segsum(h_hbm, src_hbm, dst_hbm, out_hbm, sidx, didx, rows, zbuf,
               acc, sg):
        cid = lax.axis_index("c")
        sid = lax.axis_index("s")
        h_c = h_hbm.at[cid]

        pltpu.sync_copy(src_hbm.at[pl.ds(sid * cpt, cpt)], sidx)
        pltpu.sync_copy(dst_hbm.at[pl.ds(sid * cpt, cpt)], didx)

        zeros16 = jnp.zeros((16,), jnp.float32)

        @pl.loop(0, CH)
        def _zero_rows(r):
            for c in range(d2 // 16):
                zbuf[r, pl.ds(c * 16, 16)] = zeros16

        for t in range(rows_per_tile_pad // CH):
            pltpu.sync_copy(zbuf,
                            acc.at[pl.ds(sid * rows_per_tile_pad + t * CH, CH)])

        plsc.subcore_barrier()

        @pl.loop(0, cpt + 1)
        def _edges(j):
            jc = jnp.minimum(j, cpt - 1)
            cp = pltpu.make_async_copy(
                h_c.at[sidx.at[jc]], rows.at[lax.rem(jc, 2)], sg)

            @pl.when(j < cpt)
            def _start_gather():
                cp.start()

            @pl.when(j > 0)
            def _scatter_prev():
                jp = j - 1
                pltpu.sync_copy(rows.at[lax.rem(jp, 2)],
                                acc.at[didx.at[jp]], add=True)

            @pl.when(j < cpt)
            def _wait_gather():
                cp.wait()

        plsc.subcore_barrier()

        pltpu.sync_copy(
            acc.at[pl.ds(sid * rows_per_tile_out, rows_per_tile_out)],
            out_hbm.at[cid, pl.ds(sid * rows_per_tile_out, rows_per_tile_out)],
        )
        if tail_rows:
            @pl.when(sid == 0)
            def _tail():
                pltpu.sync_copy(
                    acc.at[pl.ds(tail_start, tail_rows)],
                    out_hbm.at[cid, pl.ds(tail_start, tail_rows)],
                )

    return segsum


def _sc_segsum(h, src_pad, dst_pad, n_nodes, n_pad):
    d2 = h.shape[2]
    chunks_per_tile = src_pad.shape[0] // NS
    fn = _make_sc_segsum(n_nodes, d2, chunks_per_tile, n_pad)
    return fn(h, src_pad, dst_pad)



def kernel(features, edge_index, norm, W1, W2):
    n_nodes = features.shape[0]
    n_edges = edge_index.shape[1]

    chunks_per_tile = -(-n_edges // (NS * CH))
    e_pad = NS * chunks_per_tile * CH
    n_pad = NS * CH * (-(-(n_nodes + 1) // (NS * CH)))
    src = edge_index[0]
    dst = edge_index[1]
    if e_pad != n_edges:
        pad = e_pad - n_edges
        src = jnp.concatenate([src, jnp.zeros((pad,), jnp.int32)])
        dst = jnp.concatenate([dst, jnp.full((pad,), n_nodes, jnp.int32)])
    src = src.reshape(NS * chunks_per_tile, CH)
    dst = dst.reshape(NS * chunks_per_tile, CH)

    h1 = _tc_stage1(features, W1, norm)
    p = _sc_segsum(h1, src, dst, n_nodes, n_pad)
    h2 = _tc_stage2(p, norm, W2)
    q = _sc_segsum(h2, src, dst, n_nodes, n_pad)
    return _tc_stage3(q, norm)

# --- scband reference (transcript-rebuilt; emitter-appended) ---
"""Pipeline reference for scband-gcn-adj-8581344658003 (READ-ONLY COPY).

The authoritative reference and input builder live on the scoring server;
editing this copy changes nothing except your own understanding.
"""

import jax, jax.numpy as jnp
import numpy as np

N = 10000
E = 320000
D_IN = 128
D_H = 128
D_OUT = 64


def setup_inputs(seed: int = 0) -> dict:
    key = jax.random.key(seed)
    k1, k2, k3, k4, k5 = jax.random.split(key, 5)
    features = jax.random.normal(k1, (N, D_IN), dtype=jnp.float32)
    edge_index = jax.random.randint(k2, (2, E), 0, N, dtype=jnp.int32)
    # norm is typically deg^{-1/2}; model it as a positive per-node scale in (0, 1]
    norm = jax.random.uniform(k3, (N, 1), dtype=jnp.float32, minval=0.05, maxval=1.0)
    stdv1 = 1.0 / np.sqrt(D_H)
    W1 = jax.random.uniform(k4, (D_IN, D_H), dtype=jnp.float32, minval=-stdv1, maxval=stdv1)
    stdv2 = 1.0 / np.sqrt(D_OUT)
    W2 = jax.random.uniform(k5, (D_H, D_OUT), dtype=jnp.float32, minval=-stdv2, maxval=stdv2)
    return {"features": features, "edge_index": edge_index, "norm": norm, "W1": W1, "W2": W2}


def reference(features, edge_index, norm, W1, W2):
    # dropout p=0.0 -> identity in both train and eval
    src = edge_index[0]
    dst = edge_index[1]
    # layer 1
    h = features @ W1
    h = h * norm
    # GSpMM(adj, 'copy_lhs', 'sum', h): aggregate src features into dst nodes
    h = jax.ops.segment_sum(h[src], dst, num_segments=N)
    h = h * norm
    h = jax.nn.relu(h)
    # layer 2
    h = h @ W2
    h = h * norm
    h = jax.ops.segment_sum(h[src], dst, num_segments=N)
    h = h * norm
    return h

if __name__ == "__main__":
    import jax
    _d = setup_inputs()
    print(jax.jit(kernel)(*tuple(_d.values())))

</pallas_src>

<mosaic_0001>
#map = affine_map<(d0, d1) -> (0, 0, 0)>
#map1 = affine_map<(d0, d1) -> (0, 0)>
module attributes {stable_mosaic.version = 14 : i64} {
  func.func @segsum(%arg0: i32, %arg1: i32, %arg2: memref<2x10000x64xf32, #tpu.memory_space<hbm>>, %arg3: memref<2512x128xi32, #tpu.memory_space<hbm>>, %arg4: memref<2512x128xi32, #tpu.memory_space<hbm>>, %arg5: memref<2x10000x64xf32, #tpu.memory_space<hbm>>, %arg6: memref<157x128xi32, #tpu.memory_space<vmem>>, %arg7: memref<157x128xi32, #tpu.memory_space<vmem>>, %arg8: memref<2x128x64xf32, #tpu.memory_space<vmem>>, %arg9: memref<128x64xf32, #tpu.memory_space<vmem>>, %arg10: memref<10240x64xf32, #tpu.memory_space<vmem_shared>>, %arg11: memref<!tpu.dma_semaphore, #tpu.memory_space<semaphore_mem>>) attributes {dimension_semantics = [#tpu.dimension_semantics<core_parallel>, #tpu.dimension_semantics<subcore_parallel>], iteration_bounds = array<i64: 2, 16>, scalar_prefetch = 0 : i64, scratch_operands = 6 : i64, tpu.core_type = #tpu.core_type<sc_vector_subcore>, window_params = [{transform_indices = #map}, {transform_indices = #map1}, {transform_indices = #map1}, {transform_indices = #map}]} {
    %mul3A = arith.constant 157 : i32
    %mul3A_0 = arith.muli %arg1, %mul3A : i32
    "tpu.region"() ({
      %run_scoped3A = tpu.sem_alloc : memref<!tpu.dma_semaphore, #tpu.memory_space<semaphore_mem>>
      %dma_start3A = arith.constant 0 : i32
      %dma_start3A_39 = tpu.memref_slice %arg3[%mul3A_0, %dma_start3A] : memref<2512x128xi32, #tpu.memory_space<hbm>> -> memref<157x128xi32, #tpu.memory_space<hbm>>
      %dma_start3A_40 = arith.constant 0 : i32
      %dma_start3A_41 = tpu.memref_slice %arg3[%mul3A_0, %dma_start3A_40] : memref<2512x128xi32, #tpu.memory_space<hbm>> -> memref<157x128xi32, #tpu.memory_space<hbm>>
      tpu.enqueue_dma source(%dma_start3A_41 : memref<157x128xi32, #tpu.memory_space<hbm>>) target(%arg6 : memref<157x128xi32, #tpu.memory_space<vmem>>) target_semaphore(%run_scoped3A : memref<!tpu.dma_semaphore, #tpu.memory_space<semaphore_mem>>)
      %dma_wait3A = arith.constant 0 : i32
      %dma_wait3A_42 = tpu.memref_slice %arg3[%mul3A_0, %dma_wait3A] : memref<2512x128xi32, #tpu.memory_space<hbm>> -> memref<157x128xi32, #tpu.memory_space<hbm>>
      %dma_wait3A_43 = arith.constant 0 : i32
      %dma_wait3A_44 = tpu.memref_slice %arg3[%mul3A_0, %dma_wait3A_43] : memref<2512x128xi32, #tpu.memory_space<hbm>> -> memref<157x128xi32, #tpu.memory_space<hbm>>
      tpu.wait_dma2 semaphore(%run_scoped3A : memref<!tpu.dma_semaphore, #tpu.memory_space<semaphore_mem>>) src(%dma_wait3A_44 : memref<157x128xi32, #tpu.memory_space<hbm>>) dst(%arg6 : memref<157x128xi32, #tpu.memory_space<vmem>>)
      tpu.yield
    }) : () -> ()
    %mul3A_1 = arith.constant 157 : i32
    %mul3A_2 = arith.muli %arg1, %mul3A_1 : i32
    "tpu.region"() ({
      %run_scoped3A = tpu.sem_alloc : memref<!tpu.dma_semaphore, #tpu.memory_space<semaphore_mem>>
      %dma_start3A = arith.constant 0 : i32
      %dma_start3A_39 = tpu.memref_slice %arg4[%mul3A_2, %dma_start3A] : memref<2512x128xi32, #tpu.memory_space<hbm>> -> memref<157x128xi32, #tpu.memory_space<hbm>>
      %dma_start3A_40 = arith.constant 0 : i32
      %dma_start3A_41 = tpu.memref_slice %arg4[%mul3A_2, %dma_start3A_40] : memref<2512x128xi32, #tpu.memory_space<hbm>> -> memref<157x128xi32, #tpu.memory_space<hbm>>
      tpu.enqueue_dma source(%dma_start3A_41 : memref<157x128xi32, #tpu.memory_space<hbm>>) target(%arg7 : memref<157x128xi32, #tpu.memory_space<vmem>>) target_semaphore(%run_scoped3A : memref<!tpu.dma_semaphore, #tpu.memory_space<semaphore_mem>>)
      %dma_wait3A = arith.constant 0 : i32
      %dma_wait3A_42 = tpu.memref_slice %arg4[%mul3A_2, %dma_wait3A] : memref<2512x128xi32, #tpu.memory_space<hbm>> -> memref<157x128xi32, #tpu.memory_space<hbm>>
      %dma_wait3A_43 = arith.constant 0 : i32
      %dma_wait3A_44 = tpu.memref_slice %arg4[%mul3A_2, %dma_wait3A_43] : memref<2512x128xi32, #tpu.memory_space<hbm>> -> memref<157x128xi32, #tpu.memory_space<hbm>>
      tpu.wait_dma2 semaphore(%run_scoped3A : memref<!tpu.dma_semaphore, #tpu.memory_space<semaphore_mem>>) src(%dma_wait3A_44 : memref<157x128xi32, #tpu.memory_space<hbm>>) dst(%arg7 : memref<157x128xi32, #tpu.memory_space<vmem>>)
      tpu.yield
    }) : () -> ()
    %broadcast_in_dim3A = arith.constant 0.000000e+00 : f32
    %broadcast_in_dim3A_3 = vector.broadcast %broadcast_in_dim3A : f32 to vector<16xf32>
    %scan3A = arith.constant 0 : i32
    %scan3A_4 = arith.constant 128 : i32
    %scan3A_5 = arith.addi %scan3A, %scan3A_4 : i32
    %scan3A_6 = arith.constant 1 : i32
    scf.for %scan3A_39 = %scan3A to %scan3A_5 step %scan3A_6  : i32 {
      %mul3A_40 = arith.constant 1 : i32
      %mul3A_41 = arith.muli %scan3A_39, %mul3A_40 : i32
      %add3A_42 = arith.constant 0 : i32
      %add3A_43 = arith.addi %add3A_42, %mul3A_41 : i32
      %swap3A = arith.index_cast %add3A_43 : i32 to index
      %swap3A_44 = arith.constant 0 : index
      %swap3A_45 = tpu.vector_load %arg9[%swap3A, %swap3A_44] {strides = array<i32>} : memref<128x64xf32, #tpu.memory_space<vmem>>, vector<1x16xf32>,
      %swap3A_46 = vector.shape_cast %swap3A_45 : vector<1x16xf32> to vector<16xf32>
      %swap3A_47 = vector.shape_cast %broadcast_in_dim3A_3 : vector<16xf32> to vector<1x16xf32>
      tpu.vector_store %arg9[%swap3A, %swap3A_44], %swap3A_47 {strides = array<i32>} : memref<128x64xf32, #tpu.memory_space<vmem>>, vector<1x16xf32>,
      %swap3A_48 = arith.index_cast %add3A_43 : i32 to index
      %swap3A_49 = arith.constant 16 : index
      %swap3A_50 = tpu.vector_load %arg9[%swap3A_48, %swap3A_49] {strides = array<i32>} : memref<128x64xf32, #tpu.memory_space<vmem>>, vector<1x16xf32>,
      %swap3A_51 = vector.shape_cast %swap3A_50 : vector<1x16xf32> to vector<16xf32>
      %swap3A_52 = vector.shape_cast %broadcast_in_dim3A_3 : vector<16xf32> to vector<1x16xf32>
      tpu.vector_store %arg9[%swap3A_48, %swap3A_49], %swap3A_52 {strides = array<i32>} : memref<128x64xf32, #tpu.memory_space<vmem>>, vector<1x16xf32>,
      %swap3A_53 = arith.index_cast %add3A_43 : i32 to index
      %swap3A_54 = arith.constant 32 : index
      %swap3A_55 = tpu.vector_load %arg9[%swap3A_53, %swap3A_54] {strides = array<i32>} : memref<128x64xf32, #tpu.memory_space<vmem>>, vector<1x16xf32>,
      %swap3A_56 = vector.shape_cast %swap3A_55 : vector<1x16xf32> to vector<16xf32>
      %swap3A_57 = vector.shape_cast %broadcast_in_dim3A_3 : vector<16xf32> to vector<1x16xf32>
      tpu.vector_store %arg9[%swap3A_53, %swap3A_54], %swap3A_57 {strides = array<i32>} : memref<128x64xf32, #tpu.memory_space<vmem>>, vector<1x16xf32>,
      %swap3A_58 = arith.index_cast %add3A_43 : i32 to index
      %swap3A_59 = arith.constant 48 : index
      %swap3A_60 = tpu.vector_load %arg9[%swap3A_58, %swap3A_59] {strides = array<i32>} : memref<128x64xf32, #tpu.memory_space<vmem>>, vector<1x16xf32>,
      %swap3A_61 = vector.shape_cast %swap3A_60 : vector<1x16xf32> to vector<16xf32>
      %swap3A_62 = vector.shape_cast %broadcast_in_dim3A_3 : vector<16xf32> to vector<1x16xf32>
      tpu.vector_store %arg9[%swap3A_58, %swap3A_59], %swap3A_62 {strides = array<i32>} : memref<128x64xf32, #tpu.memory_space<vmem>>, vector<1x16xf32>,
    }
    %scan3A_7 = arith.constant 128 : i32
    %mul3A_8 = arith.constant 640 : i32
    %mul3A_9 = arith.muli %arg1, %mul3A_8 : i32
    %add3A = arith.constant 0 : i32
    %add3A_10 = arith.addi %mul3A_9, %add3A : i32
    "tpu.region"() ({
      %run_scoped3A = tpu.sem_alloc : memref<!tpu.dma_semaphore, #tpu.memory_space<semaphore_mem>>
      %dma_start3A = arith.constant 0 : i32
      %dma_start3A_39 = tpu.memref_slice %arg10[%add3A_10, %dma_start3A] : memref<10240x64xf32, #tpu.memory_space<vmem_shared>> -> memref<128x64xf32, #tpu.memory_space<vmem_shared>>
      %dma_start3A_40 = arith.constant 0 : i32
      %dma_start3A_41 = tpu.memref_slice %arg10[%add3A_10, %dma_start3A_40] : memref<10240x64xf32, #tpu.memory_space<vmem_shared>> -> memref<128x64xf32, #tpu.memory_space<vmem_shared>>
      tpu.enqueue_dma source(%arg9 : memref<128x64xf32, #tpu.memory_space<vmem>>) target(%dma_start3A_41 : memref<128x64xf32, #tpu.memory_space<vmem_shared>>) target_semaphore(%run_scoped3A : memref<!tpu.dma_semaphore, #tpu.memory_space<semaphore_mem>>)
      %dma_wait3A = arith.constant 0 : i32
      %dma_wait3A_42 = tpu.memref_slice %arg10[%add3A_10, %dma_wait3A] : memref<10240x64xf32, #tpu.memory_space<vmem_shared>> -> memref<128x64xf32, #tpu.memory_space<vmem_shared>>
      %dma_wait3A_43 = arith.constant 0 : i32
      %dma_wait3A_44 = tpu.memref_slice %arg10[%add3A_10, %dma_wait3A_43] : memref<10240x64xf32, #tpu.memory_space<vmem_shared>> -> memref<128x64xf32, #tpu.memory_space<vmem_shared>>
      tpu.wait_dma2 semaphore(%run_scoped3A : memref<!tpu.dma_semaphore, #tpu.memory_space<semaphore_mem>>) src(%arg9 : memref<128x64xf32, #tpu.memory_space<vmem>>) dst(%dma_wait3A_44 : memref<128x64xf32, #tpu.memory_space<vmem_shared>>)
      tpu.yield
    }) : () -> ()
    %mul3A_11 = arith.constant 640 : i32
    %mul3A_12 = arith.muli %arg1, %mul3A_11 : i32
    %add3A_13 = arith.constant 128 : i32
    %add3A_14 = arith.addi %mul3A_12, %add3A_13 : i32
    "tpu.region"() ({
      %run_scoped3A = tpu.sem_alloc : memref<!tpu.dma_semaphore, #tpu.memory_space<semaphore_mem>>
      %dma_start3A = arith.constant 0 : i32
      %dma_start3A_39 = tpu.memref_slice %arg10[%add3A_14, %dma_start3A] : memref<10240x64xf32, #tpu.memory_space<vmem_shared>> -> memref<128x64xf32, #tpu.memory_space<vmem_shared>>
      %dma_start3A_40 = arith.constant 0 : i32
      %dma_start3A_41 = tpu.memref_slice %arg10[%add3A_14, %dma_start3A_40] : memref<10240x64xf32, #tpu.memory_space<vmem_shared>> -> memref<128x64xf32, #tpu.memory_space<vmem_shared>>
      tpu.enqueue_dma source(%arg9 : memref<128x64xf32, #tpu.memory_space<vmem>>) target(%dma_start3A_41 : memref<128x64xf32, #tpu.memory_space<vmem_shared>>) target_semaphore(%run_scoped3A : memref<!tpu.dma_semaphore, #tpu.memory_space<semaphore_mem>>)
      %dma_wait3A = arith.constant 0 : i32
      %dma_wait3A_42 = tpu.memref_slice %arg10[%add3A_14, %dma_wait3A] : memref<10240x64xf32, #tpu.memory_space<vmem_shared>> -> memref<128x64xf32, #tpu.memory_space<vmem_shared>>
      %dma_wait3A_43 = arith.constant 0 : i32
      %dma_wait3A_44 = tpu.memref_slice %arg10[%add3A_14, %dma_wait3A_43] : memref<10240x64xf32, #tpu.memory_space<vmem_shared>> -> memref<128x64xf32, #tpu.memory_space<vmem_shared>>
      tpu.wait_dma2 semaphore(%run_scoped3A : memref<!tpu.dma_semaphore, #tpu.memory_space<semaphore_mem>>) src(%arg9 : memref<128x64xf32, #tpu.memory_space<vmem>>) dst(%dma_wait3A_44 : memref<128x64xf32, #tpu.memory_space<vmem_shared>>)
      tpu.yield
    }) : () -> ()
    %mul3A_15 = arith.constant 640 : i32
    %mul3A_16 = arith.muli %arg1, %mul3A_15 : i32
    %add3A_17 = arith.constant 256 : i32
    %add3A_18 = arith.addi %mul3A_16, %add3A_17 : i32
    "tpu.region"() ({
      %run_scoped3A = tpu.sem_alloc : memref<!tpu.dma_semaphore, #tpu.memory_space<semaphore_mem>>
      %dma_start3A = arith.constant 0 : i32
      %dma_start3A_39 = tpu.memref_slice %arg10[%add3A_18, %dma_start3A] : memref<10240x64xf32, #tpu.memory_space<vmem_shared>> -> memref<128x64xf32, #tpu.memory_space<vmem_shared>>
      %dma_start3A_40 = arith.constant 0 : i32
      %dma_start3A_41 = tpu.memref_slice %arg10[%add3A_18, %dma_start3A_40] : memref<10240x64xf32, #tpu.memory_space<vmem_shared>> -> memref<128x64xf32, #tpu.memory_space<vmem_shared>>
      tpu.enqueue_dma source(%arg9 : memref<128x64xf32, #tpu.memory_space<vmem>>) target(%dma_start3A_41 : memref<128x64xf32, #tpu.memory_space<vmem_shared>>) target_semaphore(%run_scoped3A : memref<!tpu.dma_semaphore, #tpu.memory_space<semaphore_mem>>)
      %dma_wait3A = arith.constant 0 : i32
      %dma_wait3A_42 = tpu.memref_slice %arg10[%add3A_18, %dma_wait3A] : memref<10240x64xf32, #tpu.memory_space<vmem_shared>> -> memref<128x64xf32, #tpu.memory_space<vmem_shared>>
      %dma_wait3A_43 = arith.constant 0 : i32
      %dma_wait3A_44 = tpu.memref_slice %arg10[%add3A_18, %dma_wait3A_43] : memref<10240x64xf32, #tpu.memory_space<vmem_shared>> -> memref<128x64xf32, #tpu.memory_space<vmem_shared>>
      tpu.wait_dma2 semaphore(%run_scoped3A : memref<!tpu.dma_semaphore, #tpu.memory_space<semaphore_mem>>) src(%arg9 : memref<128x64xf32, #tpu.memory_space<vmem>>) dst(%dma_wait3A_44 : memref<128x64xf32, #tpu.memory_space<vmem_shared>>)
      tpu.yield
    }) : () -> ()
    %mul3A_19 = arith.constant 640 : i32
    %mul3A_20 = arith.muli %arg1, %mul3A_19 : i32
    %add3A_21 = arith.constant 384 : i32
    %add3A_22 = arith.addi %mul3A_20, %add3A_21 : i32
    "tpu.region"() ({
      %run_scoped3A = tpu.sem_alloc : memref<!tpu.dma_semaphore, #tpu.memory_space<semaphore_mem>>
      %dma_start3A = arith.constant 0 : i32
      %dma_start3A_39 = tpu.memref_slice %arg10[%add3A_22, %dma_start3A] : memref<10240x64xf32, #tpu.memory_space<vmem_shared>> -> memref<128x64xf32, #tpu.memory_space<vmem_shared>>
      %dma_start3A_40 = arith.constant 0 : i32
      %dma_start3A_41 = tpu.memref_slice %arg10[%add3A_22, %dma_start3A_40] : memref<10240x64xf32, #tpu.memory_space<vmem_shared>> -> memref<128x64xf32, #tpu.memory_space<vmem_shared>>
      tpu.enqueue_dma source(%arg9 : memref<128x64xf32, #tpu.memory_space<vmem>>) target(%dma_start3A_41 : memref<128x64xf32, #tpu.memory_space<vmem_shared>>) target_semaphore(%run_scoped3A : memref<!tpu.dma_semaphore, #tpu.memory_space<semaphore_mem>>)
      %dma_wait3A = arith.constant 0 : i32
      %dma_wait3A_42 = tpu.memref_slice %arg10[%add3A_22, %dma_wait3A] : memref<10240x64xf32, #tpu.memory_space<vmem_shared>> -> memref<128x64xf32, #tpu.memory_space<vmem_shared>>
      %dma_wait3A_43 = arith.constant 0 : i32
      %dma_wait3A_44 = tpu.memref_slice %arg10[%add3A_22, %dma_wait3A_43] : memref<10240x64xf32, #tpu.memory_space<vmem_shared>> -> memref<128x64xf32, #tpu.memory_space<vmem_shared>>
      tpu.wait_dma2 semaphore(%run_scoped3A : memref<!tpu.dma_semaphore, #tpu.memory_space<semaphore_mem>>) src(%arg9 : memref<128x64xf32, #tpu.memory_space<vmem>>) dst(%dma_wait3A_44 : memref<128x64xf32, #tpu.memory_space<vmem_shared>>)
      tpu.yield
    }) : () -> ()
    %mul3A_23 = arith.constant 640 : i32
    %mul3A_24 = arith.muli %arg1, %mul3A_23 : i32
    %add3A_25 = arith.constant 512 : i32
    %add3A_26 = arith.addi %mul3A_24, %add3A_25 : i32
    "tpu.region"() ({
      %run_scoped3A = tpu.sem_alloc : memref<!tpu.dma_semaphore, #tpu.memory_space<semaphore_mem>>
      %dma_start3A = arith.constant 0 : i32
      %dma_start3A_39 = tpu.memref_slice %arg10[%add3A_26, %dma_start3A] : memref<10240x64xf32, #tpu.memory_space<vmem_shared>> -> memref<128x64xf32, #tpu.memory_space<vmem_shared>>
      %dma_start3A_40 = arith.constant 0 : i32
      %dma_start3A_41 = tpu.memref_slice %arg10[%add3A_26, %dma_start3A_40] : memref<10240x64xf32, #tpu.memory_space<vmem_shared>> -> memref<128x64xf32, #tpu.memory_space<vmem_shared>>
      tpu.enqueue_dma source(%arg9 : memref<128x64xf32, #tpu.memory_space<vmem>>) target(%dma_start3A_41 : memref<128x64xf32, #tpu.memory_space<vmem_shared>>) target_semaphore(%run_scoped3A : memref<!tpu.dma_semaphore, #tpu.memory_space<semaphore_mem>>)
      %dma_wait3A = arith.constant 0 : i32
      %dma_wait3A_42 = tpu.memref_slice %arg10[%add3A_26, %dma_wait3A] : memref<10240x64xf32, #tpu.memory_space<vmem_shared>> -> memref<128x64xf32, #tpu.memory_space<vmem_shared>>
      %dma_wait3A_43 = arith.constant 0 : i32
      %dma_wait3A_44 = tpu.memref_slice %arg10[%add3A_26, %dma_wait3A_43] : memref<10240x64xf32, #tpu.memory_space<vmem_shared>> -> memref<128x64xf32, #tpu.memory_space<vmem_shared>>
      tpu.wait_dma2 semaphore(%run_scoped3A : memref<!tpu.dma_semaphore, #tpu.memory_space<semaphore_mem>>) src(%arg9 : memref<128x64xf32, #tpu.memory_space<vmem>>) dst(%dma_wait3A_44 : memref<128x64xf32, #tpu.memory_space<vmem_shared>>)
      tpu.yield
    }) : () -> ()
    %barrier3A = arith.constant 0 : index
    tpu.barrier barrier_id(%barrier3A)
    %scan3A_27 = arith.constant 0 : i32
    %scan3A_28 = arith.constant 158 : i32
    %scan3A_29 = arith.addi %scan3A_27, %scan3A_28 : i32
    %scan3A_30 = arith.constant 1 : i32
    scf.for %scan3A_39 = %scan3A_27 to %scan3A_29 step %scan3A_30  : i32 {
      %mul3A_40 = arith.constant 1 : i32
      %mul3A_41 = arith.muli %scan3A_39, %mul3A_40 : i32
      %add3A_42 = arith.constant 0 : i32
      %add3A_43 = arith.addi %add3A_42, %mul3A_41 : i32
      %min3A = arith.constant 156 : i32
      %min3A_44 = arith.minsi %add3A_43, %min3A : i32
      %rem3A = arith.constant 2 : i32
      %rem3A_45 = arith.remsi %min3A_44, %rem3A : i32
      %lt3A = arith.constant 157 : i32
      %lt3A_46 = arith.cmpi slt, %add3A_43, %lt3A : i32
      %convert_element_type3A_47 = arith.extui %lt3A_46 : i1 to i32
      %cond3A_48 = arith.constant 0 : i32
      %cond3A_49 = arith.cmpi ne, %convert_element_type3A_47, %cond3A_48 : i32
      scf.if %cond3A_49 {
        %dma_start3A = arith.constant 0 : i32
        %dma_start3A_59 = arith.constant 0 : i32
        %dma_start3A_60 = tpu.memref_slice %arg8[%rem3A_45, %dma_start3A, %dma_start3A_59] : memref<2x128x64xf32, #tpu.memory_space<vmem>> -> memref<1x128x64xf32, #tpu.memory_space<vmem>>
        %dma_start3A_61 = tpu.memref_squeeze %dma_start3A_60 : memref<1x128x64xf32, #tpu.memory_space<vmem>> -> memref<128x64xf32, #tpu.memory_space<vmem>>
        %dma_start3A_62 = arith.constant 0 : i32
        %dma_start3A_63 = tpu.memref_slice %arg6[%min3A_44, %dma_start3A_62] : memref<157x128xi32, #tpu.memory_space<vmem>> -> memref<1x128xi32, #tpu.memory_space<vmem>>
        %dma_start3A_64 = tpu.memref_squeeze %dma_start3A_63 : memref<1x128xi32, #tpu.memory_space<vmem>> -> memref<128xi32, #tpu.memory_space<vmem>>
        %dma_start3A_65 = arith.constant 0 : i32
        %dma_start3A_66 = arith.constant 0 : i32
        %dma_start3A_67 = tpu.memref_slice %arg2[%arg0, %dma_start3A_65, %dma_start3A_66] : memref<2x10000x64xf32, #tpu.memory_space<hbm>> -> memref<1x10000x64xf32, #tpu.memory_space<hbm>>
        %dma_start3A_68 = tpu.memref_squeeze %dma_start3A_67 : memref<1x10000x64xf32, #tpu.memory_space<hbm>> -> memref<10000x64xf32, #tpu.memory_space<hbm>>
        %dma_start3A_69 = arith.constant 0 : i32
        %dma_start3A_70 = arith.constant 0 : i32
        %dma_start3A_71 = tpu.memref_slice %dma_start3A_68[%dma_start3A_69, %dma_start3A_70] : memref<10000x64xf32, #tpu.memory_space<hbm>> -> memref<10000x64xf32, #tpu.memory_space<hbm>>
        tpu.enqueue_indirect_dma source(%dma_start3A_71 : memref<10000x64xf32, #tpu.memory_space<hbm>>) target(%dma_start3A_61 : memref<128x64xf32, #tpu.memory_space<vmem>>) offsets(%dma_start3A_64 : memref<128xi32, #tpu.memory_space<vmem>>) semaphore(%arg11 : memref<!tpu.dma_semaphore, #tpu.memory_space<semaphore_mem>>)
      } else {
      }
      %gt3A = arith.constant 0 : i32
      %gt3A_50 = arith.cmpi sgt, %add3A_43, %gt3A : i32
      %convert_element_type3A_51 = arith.extui %gt3A_50 : i1 to i32
      %cond3A_52 = arith.constant 0 : i32
      %cond3A_53 = arith.cmpi ne, %convert_element_type3A_51, %cond3A_52 : i32
      scf.if %cond3A_53 {
        %sub3A = arith.constant 1 : i32
        %sub3A_59 = arith.subi %add3A_43, %sub3A : i32
        %rem3A_60 = arith.constant 2 : i32
        %rem3A_61 = arith.remsi %sub3A_59, %rem3A_60 : i32
        "tpu.region"() ({
          %run_scoped3A = tpu.sem_alloc : memref<!tpu.dma_semaphore, #tpu.memory_space<semaphore_mem>>
          %dma_start3A = arith.constant 0 : i32
          %dma_start3A_62 = arith.constant 0 : i32
          %dma_start3A_63 = tpu.memref_slice %arg8[%rem3A_61, %dma_start3A, %dma_start3A_62] : memref<2x128x64xf32, #tpu.memory_space<vmem>> -> memref<1x128x64xf32, #tpu.memory_space<vmem>>
          %dma_start3A_64 = tpu.memref_squeeze %dma_start3A_63 : memref<1x128x64xf32, #tpu.memory_space<vmem>> -> memref<128x64xf32, #tpu.memory_space<vmem>>
          %dma_start3A_65 = arith.constant 0 : i32
          %dma_start3A_66 = tpu.memref_slice %arg7[%sub3A_59, %dma_start3A_65] : memref<157x128xi32, #tpu.memory_space<vmem>> -> memref<1x128xi32, #tpu.memory_space<vmem>>
          %dma_start3A_67 = tpu.memref_squeeze %dma_start3A_66 : memref<1x128xi32, #tpu.memory_space<vmem>> -> memref<128xi32, #tpu.memory_space<vmem>>
          %dma_start3A_68 = arith.constant 0 : i32
          %dma_start3A_69 = arith.constant 0 : i32
          %dma_start3A_70 = tpu.memref_slice %arg10[%dma_start3A_68, %dma_start3A_69] : memref<10240x64xf32, #tpu.memory_space<vmem_shared>> -> memref<10240x64xf32, #tpu.memory_space<vmem_shared>>
          tpu.enqueue_indirect_dma source(%dma_start3A_64 : memref<128x64xf32, #tpu.memory_space<vmem>>) target(%dma_start3A_70 : memref<10240x64xf32, #tpu.memory_space<vmem_shared>>) offsets(%dma_start3A_67 : memref<128xi32, #tpu.memory_space<vmem>>) semaphore(%run_scoped3A : memref<!tpu.dma_semaphore, #tpu.memory_space<semaphore_mem>>) {add = true}
          %dma_wait3A = arith.constant 0 : i32
          %dma_wait3A_71 = arith.constant 0 : i32
          %dma_wait3A_72 = tpu.memref_slice %arg8[%rem3A_61, %dma_wait3A, %dma_wait3A_71] : memref<2x128x64xf32, #tpu.memory_space<vmem>> -> memref<1x128x64xf32, #tpu.memory_space<vmem>>
          %dma_wait3A_73 = tpu.memref_squeeze %dma_wait3A_72 : memref<1x128x64xf32, #tpu.memory_space<vmem>> -> memref<128x64xf32, #tpu.memory_space<vmem>>
          %dma_wait3A_74 = arith.constant 0 : i32
          %dma_wait3A_75 = tpu.memref_slice %arg7[%sub3A_59, %dma_wait3A_74] : memref<157x128xi32, #tpu.memory_space<vmem>> -> memref<1x128xi32, #tpu.memory_space<vmem>>
          %dma_wait3A_76 = tpu.memref_squeeze %dma_wait3A_75 : memref<1x128xi32, #tpu.memory_space<vmem>> -> memref<128xi32, #tpu.memory_space<vmem>>
          %dma_wait3A_77 = arith.constant 0 : i32
          %dma_wait3A_78 = arith.constant 0 : i32
          %dma_wait3A_79 = tpu.memref_slice %arg10[%dma_wait3A_77, %dma_wait3A_78] : memref<10240x64xf32, #tpu.memory_space<vmem_shared>> -> memref<10240x64xf32, #tpu.memory_space<vmem_shared>>
          tpu.wait_indirect_dma semaphore(%run_scoped3A : memref<!tpu.dma_semaphore, #tpu.memory_space<semaphore_mem>>) src(%dma_wait3A_73 : memref<128x64xf32, #tpu.memory_space<vmem>>) dst(%dma_wait3A_79 : memref<10240x64xf32, #tpu.memory_space<vmem_shared>>)
          tpu.yield
        }) : () -> ()
      } else {
      }
      %lt3A_54 = arith.constant 157 : i32
      %lt3A_55 = arith.cmpi slt, %add3A_43, %lt3A_54 : i32
      %convert_element_type3A_56 = arith.extui %lt3A_55 : i1 to i32
      %cond3A_57 = arith.constant 0 : i32
      %cond3A_58 = arith.cmpi ne, %convert_element_type3A_56, %cond3A_57 : i32
      scf.if %cond3A_58 {
        %dma_wait3A = arith.constant 0 : i32
        %dma_wait3A_59 = arith.constant 0 : i32
        %dma_wait3A_60 = tpu.memref_slice %arg8[%rem3A_45, %dma_wait3A, %dma_wait3A_59] : memref<2x128x64xf32, #tpu.memory_space<vmem>> -> memref<1x128x64xf32, #tpu.memory_space<vmem>>
        %dma_wait3A_61 = tpu.memref_squeeze %dma_wait3A_60 : memref<1x128x64xf32, #tpu.memory_space<vmem>> -> memref<128x64xf32, #tpu.memory_space<vmem>>
        %dma_wait3A_62 = arith.constant 0 : i32
        %dma_wait3A_63 = tpu.memref_slice %arg6[%min3A_44, %dma_wait3A_62] : memref<157x128xi32, #tpu.memory_space<vmem>> -> memref<1x128xi32, #tpu.memory_space<vmem>>
        %dma_wait3A_64 = tpu.memref_squeeze %dma_wait3A_63 : memref<1x128xi32, #tpu.memory_space<vmem>> -> memref<128xi32, #tpu.memory_space<vmem>>
        %dma_wait3A_65 = arith.constant 0 : i32
        %dma_wait3A_66 = arith.constant 0 : i32
        %dma_wait3A_67 = tpu.memref_slice %arg2[%arg0, %dma_wait3A_65, %dma_wait3A_66] : memref<2x10000x64xf32, #tpu.memory_space<hbm>> -> memref<1x10000x64xf32, #tpu.memory_space<hbm>>
        %dma_wait3A_68 = tpu.memref_squeeze %dma_wait3A_67 : memref<1x10000x64xf32, #tpu.memory_space<hbm>> -> memref<10000x64xf32, #tpu.memory_space<hbm>>
        %dma_wait3A_69 = arith.constant 0 : i32
        %dma_wait3A_70 = arith.constant 0 : i32
        %dma_wait3A_71 = tpu.memref_slice %dma_wait3A_68[%dma_wait3A_69, %dma_wait3A_70] : memref<10000x64xf32, #tpu.memory_space<hbm>> -> memref<10000x64xf32, #tpu.memory_space<hbm>>
        tpu.wait_indirect_dma semaphore(%arg11 : memref<!tpu.dma_semaphore, #tpu.memory_space<semaphore_mem>>) src(%dma_wait3A_71 : memref<10000x64xf32, #tpu.memory_space<hbm>>) dst(%dma_wait3A_61 : memref<128x64xf32, #tpu.memory_space<vmem>>)
      } else {
      }
    }
    %scan3A_31 = arith.constant 158 : i32
    %barrier3A_32 = arith.constant 0 : index
    tpu.barrier barrier_id(%barrier3A_32)
    %mul3A_33 = arith.constant 624 : i32
    %mul3A_34 = arith.muli %arg1, %mul3A_33 : i32
    %mul3A_35 = arith.constant 624 : i32
    %mul3A_36 = arith.muli %arg1, %mul3A_35 : i32
    "tpu.region"() ({
      %run_scoped3A = tpu.sem_alloc : memref<!tpu.dma_semaphore, #tpu.memory_space<semaphore_mem>>
      %dma_start3A = arith.constant 0 : i32
      %dma_start3A_39 = tpu.memref_slice %arg5[%arg0, %mul3A_36, %dma_start3A] : memref<2x10000x64xf32, #tpu.memory_space<hbm>> -> memref<1x624x64xf32, #tpu.memory_space<hbm>>
      %dma_start3A_40 = tpu.memref_squeeze %dma_start3A_39 : memref<1x624x64xf32, #tpu.memory_space<hbm>> -> memref<624x64xf32, #tpu.memory_space<hbm>>
      %dma_start3A_41 = arith.constant 0 : i32
      %dma_start3A_42 = tpu.memref_slice %arg10[%mul3A_34, %dma_start3A_41] : memref<10240x64xf32, #tpu.memory_space<vmem_shared>> -> memref<624x64xf32, #tpu.memory_space<vmem_shared>>
      tpu.enqueue_dma source(%dma_start3A_42 : memref<624x64xf32, #tpu.memory_space<vmem_shared>>) target(%dma_start3A_40 : memref<624x64xf32, #tpu.memory_space<hbm>>) target_semaphore(%run_scoped3A : memref<!tpu.dma_semaphore, #tpu.memory_space<semaphore_mem>>)
      %dma_wait3A = arith.constant 0 : i32
      %dma_wait3A_43 = tpu.memref_slice %arg5[%arg0, %mul3A_36, %dma_wait3A] : memref<2x10000x64xf32, #tpu.memory_space<hbm>> -> memref<1x624x64xf32, #tpu.memory_space<hbm>>
      %dma_wait3A_44 = tpu.memref_squeeze %dma_wait3A_43 : memref<1x624x64xf32, #tpu.memory_space<hbm>> -> memref<624x64xf32, #tpu.memory_space<hbm>>
      %dma_wait3A_45 = arith.constant 0 : i32
      %dma_wait3A_46 = tpu.memref_slice %arg10[%mul3A_34, %dma_wait3A_45] : memref<10240x64xf32, #tpu.memory_space<vmem_shared>> -> memref<624x64xf32, #tpu.memory_space<vmem_shared>>
      tpu.wait_dma2 semaphore(%run_scoped3A : memref<!tpu.dma_semaphore, #tpu.memory_space<semaphore_mem>>) src(%dma_wait3A_46 : memref<624x64xf32, #tpu.memory_space<vmem_shared>>) dst(%dma_wait3A_44 : memref<624x64xf32, #tpu.memory_space<hbm>>)
      tpu.yield
    }) : () -> ()
    %eq3A = arith.constant 0 : i32
    %eq3A_37 = arith.cmpi eq, %arg1, %eq3A : i32
    %convert_element_type3A = arith.extui %eq3A_37 : i1 to i32
    %cond3A = arith.constant 0 : i32
    %cond3A_38 = arith.cmpi ne, %convert_element_type3A, %cond3A : i32
    scf.if %cond3A_38 {
      "tpu.region"() ({
        %run_scoped3A = tpu.sem_alloc : memref<!tpu.dma_semaphore, #tpu.memory_space<semaphore_mem>>
        %dma_start3A = arith.constant 9984 : i32
        %dma_start3A_39 = arith.constant 0 : i32
        %dma_start3A_40 = tpu.memref_slice %arg5[%arg0, %dma_start3A, %dma_start3A_39] : memref<2x10000x64xf32, #tpu.memory_space<hbm>> -> memref<1x16x64xf32, #tpu.memory_space<hbm>>
        %dma_start3A_41 = tpu.memref_squeeze %dma_start3A_40 : memref<1x16x64xf32, #tpu.memory_space<hbm>> -> memref<16x64xf32, #tpu.memory_space<hbm>>
        %dma_start3A_42 = arith.constant 9984 : i32
        %dma_start3A_43 = arith.constant 0 : i32
        %dma_start3A_44 = tpu.memref_slice %arg10[%dma_start3A_42, %dma_start3A_43] : memref<10240x64xf32, #tpu.memory_space<vmem_shared>> -> memref<16x64xf32, #tpu.memory_space<vmem_shared>>
        tpu.enqueue_dma source(%dma_start3A_44 : memref<16x64xf32, #tpu.memory_space<vmem_shared>>) target(%dma_start3A_41 : memref<16x64xf32, #tpu.memory_space<hbm>>) target_semaphore(%run_scoped3A : memref<!tpu.dma_semaphore, #tpu.memory_space<semaphore_mem>>)
        %dma_wait3A = arith.constant 9984 : i32
        %dma_wait3A_45 = arith.constant 0 : i32
        %dma_wait3A_46 = tpu.memref_slice %arg5[%arg0, %dma_wait3A, %dma_wait3A_45] : memref<2x10000x64xf32, #tpu.memory_space<hbm>> -> memref<1x16x64xf32, #tpu.memory_space<hbm>>
        %dma_wait3A_47 = tpu.memref_squeeze %dma_wait3A_46 : memref<1x16x64xf32, #tpu.memory_space<hbm>> -> memref<16x64xf32, #tpu.memory_space<hbm>>
        %dma_wait3A_48 = arith.constant 9984 : i32
        %dma_wait3A_49 = arith.constant 0 : i32
        %dma_wait3A_50 = tpu.memref_slice %arg10[%dma_wait3A_48, %dma_wait3A_49] : memref<10240x64xf32, #tpu.memory_space<vmem_shared>> -> memref<16x64xf32, #tpu.memory_space<vmem_shared>>
        tpu.wait_dma2 semaphore(%run_scoped3A : memref<!tpu.dma_semaphore, #tpu.memory_space<semaphore_mem>>) src(%dma_wait3A_50 : memref<16x64xf32, #tpu.memory_space<vmem_shared>>) dst(%dma_wait3A_47 : memref<16x64xf32, #tpu.memory_space<hbm>>)
        tpu.yield
      }) : () -> ()
    } else {
    }
    return
  }
}

#map = affine_map<(d0, d1) -> (0, 0, 0)>
#map1 = affine_map<(d0, d1) -> (0, 0)>
module attributes {stable_mosaic.version = 14 : i64} {
  func.func @segsum(%arg0: i32, %arg1: i32, %arg2: memref<2x10000x32xf32, #tpu.memory_space<hbm>>, %arg3: memref<2512x128xi32, #tpu.memory_space<hbm>>, %arg4: memref<2512x128xi32, #tpu.memory_space<hbm>>, %arg5: memref<2x10000x32xf32, #tpu.memory_space<hbm>>, %arg6: memref<157x128xi32, #tpu.memory_space<vmem>>, %arg7: memref<157x128xi32, #tpu.memory_space<vmem>>, %arg8: memref<2x128x32xf32, #tpu.memory_space<vmem>>, %arg9: memref<128x32xf32, #tpu.memory_space<vmem>>, %arg10: memref<10240x32xf32, #tpu.memory_space<vmem_shared>>, %arg11: memref<!tpu.dma_semaphore, #tpu.memory_space<semaphore_mem>>) attributes {dimension_semantics = [#tpu.dimension_semantics<core_parallel>, #tpu.dimension_semantics<subcore_parallel>], iteration_bounds = array<i64: 2, 16>, scalar_prefetch = 0 : i64, scratch_operands = 6 : i64, tpu.core_type = #tpu.core_type<sc_vector_subcore>, window_params = [{transform_indices = #map}, {transform_indices = #map1}, {transform_indices = #map1}, {transform_indices = #map}]} {
    %mul3A = arith.constant 157 : i32
    %mul3A_0 = arith.muli %arg1, %mul3A : i32
    "tpu.region"() ({
      %run_scoped3A = tpu.sem_alloc : memref<!tpu.dma_semaphore, #tpu.memory_space<semaphore_mem>>
      %dma_start3A = arith.constant 0 : i32
      %dma_start3A_39 = tpu.memref_slice %arg3[%mul3A_0, %dma_start3A] : memref<2512x128xi32, #tpu.memory_space<hbm>> -> memref<157x128xi32, #tpu.memory_space<hbm>>
      %dma_start3A_40 = arith.constant 0 : i32
      %dma_start3A_41 = tpu.memref_slice %arg3[%mul3A_0, %dma_start3A_40] : memref<2512x128xi32, #tpu.memory_space<hbm>> -> memref<157x128xi32, #tpu.memory_space<hbm>>
      tpu.enqueue_dma source(%dma_start3A_41 : memref<157x128xi32, #tpu.memory_space<hbm>>) target(%arg6 : memref<157x128xi32, #tpu.memory_space<vmem>>) target_semaphore(%run_scoped3A : memref<!tpu.dma_semaphore, #tpu.memory_space<semaphore_mem>>)
      %dma_wait3A = arith.constant 0 : i32
      %dma_wait3A_42 = tpu.memref_slice %arg3[%mul3A_0, %dma_wait3A] : memref<2512x128xi32, #tpu.memory_space<hbm>> -> memref<157x128xi32, #tpu.memory_space<hbm>>
      %dma_wait3A_43 = arith.constant 0 : i32
      %dma_wait3A_44 = tpu.memref_slice %arg3[%mul3A_0, %dma_wait3A_43] : memref<2512x128xi32, #tpu.memory_space<hbm>> -> memref<157x128xi32, #tpu.memory_space<hbm>>
      tpu.wait_dma2 semaphore(%run_scoped3A : memref<!tpu.dma_semaphore, #tpu.memory_space<semaphore_mem>>) src(%dma_wait3A_44 : memref<157x128xi32, #tpu.memory_space<hbm>>) dst(%arg6 : memref<157x128xi32, #tpu.memory_space<vmem>>)
      tpu.yield
    }) : () -> ()
    %mul3A_1 = arith.constant 157 : i32
    %mul3A_2 = arith.muli %arg1, %mul3A_1 : i32
    "tpu.region"() ({
      %run_scoped3A = tpu.sem_alloc : memref<!tpu.dma_semaphore, #tpu.memory_space<semaphore_mem>>
      %dma_start3A = arith.constant 0 : i32
      %dma_start3A_39 = tpu.memref_slice %arg4[%mul3A_2, %dma_start3A] : memref<2512x128xi32, #tpu.memory_space<hbm>> -> memref<157x128xi32, #tpu.memory_space<hbm>>
      %dma_start3A_40 = arith.constant 0 : i32
      %dma_start3A_41 = tpu.memref_slice %arg4[%mul3A_2, %dma_start3A_40] : memref<2512x128xi32, #tpu.memory_space<hbm>> -> memref<157x128xi32, #tpu.memory_space<hbm>>
      tpu.enqueue_dma source(%dma_start3A_41 : memref<157x128xi32, #tpu.memory_space<hbm>>) target(%arg7 : memref<157x128xi32, #tpu.memory_space<vmem>>) target_semaphore(%run_scoped3A : memref<!tpu.dma_semaphore, #tpu.memory_space<semaphore_mem>>)
      %dma_wait3A = arith.constant 0 : i32
      %dma_wait3A_42 = tpu.memref_slice %arg4[%mul3A_2, %dma_wait3A] : memref<2512x128xi32, #tpu.memory_space<hbm>> -> memref<157x128xi32, #tpu.memory_space<hbm>>
      %dma_wait3A_43 = arith.constant 0 : i32
      %dma_wait3A_44 = tpu.memref_slice %arg4[%mul3A_2, %dma_wait3A_43] : memref<2512x128xi32, #tpu.memory_space<hbm>> -> memref<157x128xi32, #tpu.memory_space<hbm>>
      tpu.wait_dma2 semaphore(%run_scoped3A : memref<!tpu.dma_semaphore, #tpu.memory_space<semaphore_mem>>) src(%dma_wait3A_44 : memref<157x128xi32, #tpu.memory_space<hbm>>) dst(%arg7 : memref<157x128xi32, #tpu.memory_space<vmem>>)
      tpu.yield
    }) : () -> ()
    %broadcast_in_dim3A = arith.constant 0.000000e+00 : f32
    %broadcast_in_dim3A_3 = vector.broadcast %broadcast_in_dim3A : f32 to vector<16xf32>
    %scan3A = arith.constant 0 : i32
    %scan3A_4 = arith.constant 128 : i32
    %scan3A_5 = arith.addi %scan3A, %scan3A_4 : i32
    %scan3A_6 = arith.constant 1 : i32
    scf.for %scan3A_39 = %scan3A to %scan3A_5 step %scan3A_6  : i32 {
      %mul3A_40 = arith.constant 1 : i32
      %mul3A_41 = arith.muli %scan3A_39, %mul3A_40 : i32
      %add3A_42 = arith.constant 0 : i32
      %add3A_43 = arith.addi %add3A_42, %mul3A_41 : i32
      %swap3A = arith.index_cast %add3A_43 : i32 to index
      %swap3A_44 = arith.constant 0 : index
      %swap3A_45 = tpu.vector_load %arg9[%swap3A, %swap3A_44] {strides = array<i32>} : memref<128x32xf32, #tpu.memory_space<vmem>>, vector<1x16xf32>,
      %swap3A_46 = vector.shape_cast %swap3A_45 : vector<1x16xf32> to vector<16xf32>
      %swap3A_47 = vector.shape_cast %broadcast_in_dim3A_3 : vector<16xf32> to vector<1x16xf32>
      tpu.vector_store %arg9[%swap3A, %swap3A_44], %swap3A_47 {strides = array<i32>} : memref<128x32xf32, #tpu.memory_space<vmem>>, vector<1x16xf32>,
      %swap3A_48 = arith.index_cast %add3A_43 : i32 to index
      %swap3A_49 = arith.constant 16 : index
      %swap3A_50 = tpu.vector_load %arg9[%swap3A_48, %swap3A_49] {strides = array<i32>} : memref<128x32xf32, #tpu.memory_space<vmem>>, vector<1x16xf32>,
      %swap3A_51 = vector.shape_cast %swap3A_50 : vector<1x16xf32> to vector<16xf32>
      %swap3A_52 = vector.shape_cast %broadcast_in_dim3A_3 : vector<16xf32> to vector<1x16xf32>
      tpu.vector_store %arg9[%swap3A_48, %swap3A_49], %swap3A_52 {strides = array<i32>} : memref<128x32xf32, #tpu.memory_space<vmem>>, vector<1x16xf32>,
    }
    %scan3A_7 = arith.constant 128 : i32
    %mul3A_8 = arith.constant 640 : i32
    %mul3A_9 = arith.muli %arg1, %mul3A_8 : i32
    %add3A = arith.constant 0 : i32
    %add3A_10 = arith.addi %mul3A_9, %add3A : i32
    "tpu.region"() ({
      %run_scoped3A = tpu.sem_alloc : memref<!tpu.dma_semaphore, #tpu.memory_space<semaphore_mem>>
      %dma_start3A = arith.constant 0 : i32
      %dma_start3A_39 = tpu.memref_slice %arg10[%add3A_10, %dma_start3A] : memref<10240x32xf32, #tpu.memory_space<vmem_shared>> -> memref<128x32xf32, #tpu.memory_space<vmem_shared>>
      %dma_start3A_40 = arith.constant 0 : i32
      %dma_start3A_41 = tpu.memref_slice %arg10[%add3A_10, %dma_start3A_40] : memref<10240x32xf32, #tpu.memory_space<vmem_shared>> -> memref<128x32xf32, #tpu.memory_space<vmem_shared>>
      tpu.enqueue_dma source(%arg9 : memref<128x32xf32, #tpu.memory_space<vmem>>) target(%dma_start3A_41 : memref<128x32xf32, #tpu.memory_space<vmem_shared>>) target_semaphore(%run_scoped3A : memref<!tpu.dma_semaphore, #tpu.memory_space<semaphore_mem>>)
      %dma_wait3A = arith.constant 0 : i32
      %dma_wait3A_42 = tpu.memref_slice %arg10[%add3A_10, %dma_wait3A] : memref<10240x32xf32, #tpu.memory_space<vmem_shared>> -> memref<128x32xf32, #tpu.memory_space<vmem_shared>>
      %dma_wait3A_43 = arith.constant 0 : i32
      %dma_wait3A_44 = tpu.memref_slice %arg10[%add3A_10, %dma_wait3A_43] : memref<10240x32xf32, #tpu.memory_space<vmem_shared>> -> memref<128x32xf32, #tpu.memory_space<vmem_shared>>
      tpu.wait_dma2 semaphore(%run_scoped3A : memref<!tpu.dma_semaphore, #tpu.memory_space<semaphore_mem>>) src(%arg9 : memref<128x32xf32, #tpu.memory_space<vmem>>) dst(%dma_wait3A_44 : memref<128x32xf32, #tpu.memory_space<vmem_shared>>)
      tpu.yield
    }) : () -> ()
    %mul3A_11 = arith.constant 640 : i32
    %mul3A_12 = arith.muli %arg1, %mul3A_11 : i32
    %add3A_13 = arith.constant 128 : i32
    %add3A_14 = arith.addi %mul3A_12, %add3A_13 : i32
    "tpu.region"() ({
      %run_scoped3A = tpu.sem_alloc : memref<!tpu.dma_semaphore, #tpu.memory_space<semaphore_mem>>
      %dma_start3A = arith.constant 0 : i32
      %dma_start3A_39 = tpu.memref_slice %arg10[%add3A_14, %dma_start3A] : memref<10240x32xf32, #tpu.memory_space<vmem_shared>> -> memref<128x32xf32, #tpu.memory_space<vmem_shared>>
      %dma_start3A_40 = arith.constant 0 : i32
      %dma_start3A_41 = tpu.memref_slice %arg10[%add3A_14, %dma_start3A_40] : memref<10240x32xf32, #tpu.memory_space<vmem_shared>> -> memref<128x32xf32, #tpu.memory_space<vmem_shared>>
      tpu.enqueue_dma source(%arg9 : memref<128x32xf32, #tpu.memory_space<vmem>>) target(%dma_start3A_41 : memref<128x32xf32, #tpu.memory_space<vmem_shared>>) target_semaphore(%run_scoped3A : memref<!tpu.dma_semaphore, #tpu.memory_space<semaphore_mem>>)
      %dma_wait3A = arith.constant 0 : i32
      %dma_wait3A_42 = tpu.memref_slice %arg10[%add3A_14, %dma_wait3A] : memref<10240x32xf32, #tpu.memory_space<vmem_shared>> -> memref<128x32xf32, #tpu.memory_space<vmem_shared>>
      %dma_wait3A_43 = arith.constant 0 : i32
      %dma_wait3A_44 = tpu.memref_slice %arg10[%add3A_14, %dma_wait3A_43] : memref<10240x32xf32, #tpu.memory_space<vmem_shared>> -> memref<128x32xf32, #tpu.memory_space<vmem_shared>>
      tpu.wait_dma2 semaphore(%run_scoped3A : memref<!tpu.dma_semaphore, #tpu.memory_space<semaphore_mem>>) src(%arg9 : memref<128x32xf32, #tpu.memory_space<vmem>>) dst(%dma_wait3A_44 : memref<128x32xf32, #tpu.memory_space<vmem_shared>>)
      tpu.yield
    }) : () -> ()
    %mul3A_15 = arith.constant 640 : i32
    %mul3A_16 = arith.muli %arg1, %mul3A_15 : i32
    %add3A_17 = arith.constant 256 : i32
    %add3A_18 = arith.addi %mul3A_16, %add3A_17 : i32
    "tpu.region"() ({
      %run_scoped3A = tpu.sem_alloc : memref<!tpu.dma_semaphore, #tpu.memory_space<semaphore_mem>>
      %dma_start3A = arith.constant 0 : i32
      %dma_start3A_39 = tpu.memref_slice %arg10[%add3A_18, %dma_start3A] : memref<10240x32xf32, #tpu.memory_space<vmem_shared>> -> memref<128x32xf32, #tpu.memory_space<vmem_shared>>
      %dma_start3A_40 = arith.constant 0 : i32
      %dma_start3A_41 = tpu.memref_slice %arg10[%add3A_18, %dma_start3A_40] : memref<10240x32xf32, #tpu.memory_space<vmem_shared>> -> memref<128x32xf32, #tpu.memory_space<vmem_shared>>
      tpu.enqueue_dma source(%arg9 : memref<128x32xf32, #tpu.memory_space<vmem>>) target(%dma_start3A_41 : memref<128x32xf32, #tpu.memory_space<vmem_shared>>) target_semaphore(%run_scoped3A : memref<!tpu.dma_semaphore, #tpu.memory_space<semaphore_mem>>)
      %dma_wait3A = arith.constant 0 : i32
      %dma_wait3A_42 = tpu.memref_slice %arg10[%add3A_18, %dma_wait3A] : memref<10240x32xf32, #tpu.memory_space<vmem_shared>> -> memref<128x32xf32, #tpu.memory_space<vmem_shared>>
      %dma_wait3A_43 = arith.constant 0 : i32
      %dma_wait3A_44 = tpu.memref_slice %arg10[%add3A_18, %dma_wait3A_43] : memref<10240x32xf32, #tpu.memory_space<vmem_shared>> -> memref<128x32xf32, #tpu.memory_space<vmem_shared>>
      tpu.wait_dma2 semaphore(%run_scoped3A : memref<!tpu.dma_semaphore, #tpu.memory_space<semaphore_mem>>) src(%arg9 : memref<128x32xf32, #tpu.memory_space<vmem>>) dst(%dma_wait3A_44 : memref<128x32xf32, #tpu.memory_space<vmem_shared>>)
      tpu.yield
    }) : () -> ()
    %mul3A_19 = arith.constant 640 : i32
    %mul3A_20 = arith.muli %arg1, %mul3A_19 : i32
    %add3A_21 = arith.constant 384 : i32
    %add3A_22 = arith.addi %mul3A_20, %add3A_21 : i32
    "tpu.region"() ({
      %run_scoped3A = tpu.sem_alloc : memref<!tpu.dma_semaphore, #tpu.memory_space<semaphore_mem>>
      %dma_start3A = arith.constant 0 : i32
      %dma_start3A_39 = tpu.memref_slice %arg10[%add3A_22, %dma_start3A] : memref<10240x32xf32, #tpu.memory_space<vmem_shared>> -> memref<128x32xf32, #tpu.memory_space<vmem_shared>>
      %dma_start3A_40 = arith.constant 0 : i32
      %dma_start3A_41 = tpu.memref_slice %arg10[%add3A_22, %dma_start3A_40] : memref<10240x32xf32, #tpu.memory_space<vmem_shared>> -> memref<128x32xf32, #tpu.memory_space<vmem_shared>>
      tpu.enqueue_dma source(%arg9 : memref<128x32xf32, #tpu.memory_space<vmem>>) target(%dma_start3A_41 : memref<128x32xf32, #tpu.memory_space<vmem_shared>>) target_semaphore(%run_scoped3A : memref<!tpu.dma_semaphore, #tpu.memory_space<semaphore_mem>>)
      %dma_wait3A = arith.constant 0 : i32
      %dma_wait3A_42 = tpu.memref_slice %arg10[%add3A_22, %dma_wait3A] : memref<10240x32xf32, #tpu.memory_space<vmem_shared>> -> memref<128x32xf32, #tpu.memory_space<vmem_shared>>
      %dma_wait3A_43 = arith.constant 0 : i32
      %dma_wait3A_44 = tpu.memref_slice %arg10[%add3A_22, %dma_wait3A_43] : memref<10240x32xf32, #tpu.memory_space<vmem_shared>> -> memref<128x32xf32, #tpu.memory_space<vmem_shared>>
      tpu.wait_dma2 semaphore(%run_scoped3A : memref<!tpu.dma_semaphore, #tpu.memory_space<semaphore_mem>>) src(%arg9 : memref<128x32xf32, #tpu.memory_space<vmem>>) dst(%dma_wait3A_44 : memref<128x32xf32, #tpu.memory_space<vmem_shared>>)
      tpu.yield
    }) : () -> ()
    %mul3A_23 = arith.constant 640 : i32
    %mul3A_24 = arith.muli %arg1, %mul3A_23 : i32
    %add3A_25 = arith.constant 512 : i32
    %add3A_26 = arith.addi %mul3A_24, %add3A_25 : i32
    "tpu.region"() ({
      %run_scoped3A = tpu.sem_alloc : memref<!tpu.dma_semaphore, #tpu.memory_space<semaphore_mem>>
      %dma_start3A = arith.constant 0 : i32
      %dma_start3A_39 = tpu.memref_slice %arg10[%add3A_26, %dma_start3A] : memref<10240x32xf32, #tpu.memory_space<vmem_shared>> -> memref<128x32xf32, #tpu.memory_space<vmem_shared>>
      %dma_start3A_40 = arith.constant 0 : i32
      %dma_start3A_41 = tpu.memref_slice %arg10[%add3A_26, %dma_start3A_40] : memref<10240x32xf32, #tpu.memory_space<vmem_shared>> -> memref<128x32xf32, #tpu.memory_space<vmem_shared>>
      tpu.enqueue_dma source(%arg9 : memref<128x32xf32, #tpu.memory_space<vmem>>) target(%dma_start3A_41 : memref<128x32xf32, #tpu.memory_space<vmem_shared>>) target_semaphore(%run_scoped3A : memref<!tpu.dma_semaphore, #tpu.memory_space<semaphore_mem>>)
      %dma_wait3A = arith.constant 0 : i32
      %dma_wait3A_42 = tpu.memref_slice %arg10[%add3A_26, %dma_wait3A] : memref<10240x32xf32, #tpu.memory_space<vmem_shared>> -> memref<128x32xf32, #tpu.memory_space<vmem_shared>>
      %dma_wait3A_43 = arith.constant 0 : i32
      %dma_wait3A_44 = tpu.memref_slice %arg10[%add3A_26, %dma_wait3A_43] : memref<10240x32xf32, #tpu.memory_space<vmem_shared>> -> memref<128x32xf32, #tpu.memory_space<vmem_shared>>
      tpu.wait_dma2 semaphore(%run_scoped3A : memref<!tpu.dma_semaphore, #tpu.memory_space<semaphore_mem>>) src(%arg9 : memref<128x32xf32, #tpu.memory_space<vmem>>) dst(%dma_wait3A_44 : memref<128x32xf32, #tpu.memory_space<vmem_shared>>)
      tpu.yield
    }) : () -> ()
    %barrier3A = arith.constant 0 : index
    tpu.barrier barrier_id(%barrier3A)
    %scan3A_27 = arith.constant 0 : i32
    %scan3A_28 = arith.constant 158 : i32
    %scan3A_29 = arith.addi %scan3A_27, %scan3A_28 : i32
    %scan3A_30 = arith.constant 1 : i32
    scf.for %scan3A_39 = %scan3A_27 to %scan3A_29 step %scan3A_30  : i32 {
      %mul3A_40 = arith.constant 1 : i32
      %mul3A_41 = arith.muli %scan3A_39, %mul3A_40 : i32
      %add3A_42 = arith.constant 0 : i32
      %add3A_43 = arith.addi %add3A_42, %mul3A_41 : i32
      %min3A = arith.constant 156 : i32
      %min3A_44 = arith.minsi %add3A_43, %min3A : i32
      %rem3A = arith.constant 2 : i32
      %rem3A_45 = arith.remsi %min3A_44, %rem3A : i32
      %lt3A = arith.constant 157 : i32
      %lt3A_46 = arith.cmpi slt, %add3A_43, %lt3A : i32
      %convert_element_type3A_47 = arith.extui %lt3A_46 : i1 to i32
      %cond3A_48 = arith.constant 0 : i32
      %cond3A_49 = arith.cmpi ne, %convert_element_type3A_47, %cond3A_48 : i32
      scf.if %cond3A_49 {
        %dma_start3A = arith.constant 0 : i32
        %dma_start3A_59 = arith.constant 0 : i32
        %dma_start3A_60 = tpu.memref_slice %arg8[%rem3A_45, %dma_start3A, %dma_start3A_59] : memref<2x128x32xf32, #tpu.memory_space<vmem>> -> memref<1x128x32xf32, #tpu.memory_space<vmem>>
        %dma_start3A_61 = tpu.memref_squeeze %dma_start3A_60 : memref<1x128x32xf32, #tpu.memory_space<vmem>> -> memref<128x32xf32, #tpu.memory_space<vmem>>
        %dma_start3A_62 = arith.constant 0 : i32
        %dma_start3A_63 = tpu.memref_slice %arg6[%min3A_44, %dma_start3A_62] : memref<157x128xi32, #tpu.memory_space<vmem>> -> memref<1x128xi32, #tpu.memory_space<vmem>>
        %dma_start3A_64 = tpu.memref_squeeze %dma_start3A_63 : memref<1x128xi32, #tpu.memory_space<vmem>> -> memref<128xi32, #tpu.memory_space<vmem>>
        %dma_start3A_65 = arith.constant 0 : i32
        %dma_start3A_66 = arith.constant 0 : i32
        %dma_start3A_67 = tpu.memref_slice %arg2[%arg0, %dma_start3A_65, %dma_start3A_66] : memref<2x10000x32xf32, #tpu.memory_space<hbm>> -> memref<1x10000x32xf32, #tpu.memory_space<hbm>>
        %dma_start3A_68 = tpu.memref_squeeze %dma_start3A_67 : memref<1x10000x32xf32, #tpu.memory_space<hbm>> -> memref<10000x32xf32, #tpu.memory_space<hbm>>
        %dma_start3A_69 = arith.constant 0 : i32
        %dma_start3A_70 = arith.constant 0 : i32
        %dma_start3A_71 = tpu.memref_slice %dma_start3A_68[%dma_start3A_69, %dma_start3A_70] : memref<10000x32xf32, #tpu.memory_space<hbm>> -> memref<10000x32xf32, #tpu.memory_space<hbm>>
        tpu.enqueue_indirect_dma source(%dma_start3A_71 : memref<10000x32xf32, #tpu.memory_space<hbm>>) target(%dma_start3A_61 : memref<128x32xf32, #tpu.memory_space<vmem>>) offsets(%dma_start3A_64 : memref<128xi32, #tpu.memory_space<vmem>>) semaphore(%arg11 : memref<!tpu.dma_semaphore, #tpu.memory_space<semaphore_mem>>)
      } else {
      }
      %gt3A = arith.constant 0 : i32
      %gt3A_50 = arith.cmpi sgt, %add3A_43, %gt3A : i32
      %convert_element_type3A_51 = arith.extui %gt3A_50 : i1 to i32
      %cond3A_52 = arith.constant 0 : i32
      %cond3A_53 = arith.cmpi ne, %convert_element_type3A_51, %cond3A_52 : i32
      scf.if %cond3A_53 {
        %sub3A = arith.constant 1 : i32
        %sub3A_59 = arith.subi %add3A_43, %sub3A : i32
        %rem3A_60 = arith.constant 2 : i32
        %rem3A_61 = arith.remsi %sub3A_59, %rem3A_60 : i32
        "tpu.region"() ({
          %run_scoped3A = tpu.sem_alloc : memref<!tpu.dma_semaphore, #tpu.memory_space<semaphore_mem>>
          %dma_start3A = arith.constant 0 : i32
          %dma_start3A_62 = arith.constant 0 : i32
          %dma_start3A_63 = tpu.memref_slice %arg8[%rem3A_61, %dma_start3A, %dma_start3A_62] : memref<2x128x32xf32, #tpu.memory_space<vmem>> -> memref<1x128x32xf32, #tpu.memory_space<vmem>>
          %dma_start3A_64 = tpu.memref_squeeze %dma_start3A_63 : memref<1x128x32xf32, #tpu.memory_space<vmem>> -> memref<128x32xf32, #tpu.memory_space<vmem>>
          %dma_start3A_65 = arith.constant 0 : i32
          %dma_start3A_66 = tpu.memref_slice %arg7[%sub3A_59, %dma_start3A_65] : memref<157x128xi32, #tpu.memory_space<vmem>> -> memref<1x128xi32, #tpu.memory_space<vmem>>
          %dma_start3A_67 = tpu.memref_squeeze %dma_start3A_66 : memref<1x128xi32, #tpu.memory_space<vmem>> -> memref<128xi32, #tpu.memory_space<vmem>>
          %dma_start3A_68 = arith.constant 0 : i32
          %dma_start3A_69 = arith.constant 0 : i32
          %dma_start3A_70 = tpu.memref_slice %arg10[%dma_start3A_68, %dma_start3A_69] : memref<10240x32xf32, #tpu.memory_space<vmem_shared>> -> memref<10240x32xf32, #tpu.memory_space<vmem_shared>>
          tpu.enqueue_indirect_dma source(%dma_start3A_64 : memref<128x32xf32, #tpu.memory_space<vmem>>) target(%dma_start3A_70 : memref<10240x32xf32, #tpu.memory_space<vmem_shared>>) offsets(%dma_start3A_67 : memref<128xi32, #tpu.memory_space<vmem>>) semaphore(%run_scoped3A : memref<!tpu.dma_semaphore, #tpu.memory_space<semaphore_mem>>) {add = true}
          %dma_wait3A = arith.constant 0 : i32
          %dma_wait3A_71 = arith.constant 0 : i32
          %dma_wait3A_72 = tpu.memref_slice %arg8[%rem3A_61, %dma_wait3A, %dma_wait3A_71] : memref<2x128x32xf32, #tpu.memory_space<vmem>> -> memref<1x128x32xf32, #tpu.memory_space<vmem>>
          %dma_wait3A_73 = tpu.memref_squeeze %dma_wait3A_72 : memref<1x128x32xf32, #tpu.memory_space<vmem>> -> memref<128x32xf32, #tpu.memory_space<vmem>>
          %dma_wait3A_74 = arith.constant 0 : i32
          %dma_wait3A_75 = tpu.memref_slice %arg7[%sub3A_59, %dma_wait3A_74] : memref<157x128xi32, #tpu.memory_space<vmem>> -> memref<1x128xi32, #tpu.memory_space<vmem>>
          %dma_wait3A_76 = tpu.memref_squeeze %dma_wait3A_75 : memref<1x128xi32, #tpu.memory_space<vmem>> -> memref<128xi32, #tpu.memory_space<vmem>>
          %dma_wait3A_77 = arith.constant 0 : i32
          %dma_wait3A_78 = arith.constant 0 : i32
          %dma_wait3A_79 = tpu.memref_slice %arg10[%dma_wait3A_77, %dma_wait3A_78] : memref<10240x32xf32, #tpu.memory_space<vmem_shared>> -> memref<10240x32xf32, #tpu.memory_space<vmem_shared>>
          tpu.wait_indirect_dma semaphore(%run_scoped3A : memref<!tpu.dma_semaphore, #tpu.memory_space<semaphore_mem>>) src(%dma_wait3A_73 : memref<128x32xf32, #tpu.memory_space<vmem>>) dst(%dma_wait3A_79 : memref<10240x32xf32, #tpu.memory_space<vmem_shared>>)
          tpu.yield
        }) : () -> ()
      } else {
      }
      %lt3A_54 = arith.constant 157 : i32
      %lt3A_55 = arith.cmpi slt, %add3A_43, %lt3A_54 : i32
      %convert_element_type3A_56 = arith.extui %lt3A_55 : i1 to i32
      %cond3A_57 = arith.constant 0 : i32
      %cond3A_58 = arith.cmpi ne, %convert_element_type3A_56, %cond3A_57 : i32
      scf.if %cond3A_58 {
        %dma_wait3A = arith.constant 0 : i32
        %dma_wait3A_59 = arith.constant 0 : i32
        %dma_wait3A_60 = tpu.memref_slice %arg8[%rem3A_45, %dma_wait3A, %dma_wait3A_59] : memref<2x128x32xf32, #tpu.memory_space<vmem>> -> memref<1x128x32xf32, #tpu.memory_space<vmem>>
        %dma_wait3A_61 = tpu.memref_squeeze %dma_wait3A_60 : memref<1x128x32xf32, #tpu.memory_space<vmem>> -> memref<128x32xf32, #tpu.memory_space<vmem>>
        %dma_wait3A_62 = arith.constant 0 : i32
        %dma_wait3A_63 = tpu.memref_slice %arg6[%min3A_44, %dma_wait3A_62] : memref<157x128xi32, #tpu.memory_space<vmem>> -> memref<1x128xi32, #tpu.memory_space<vmem>>
        %dma_wait3A_64 = tpu.memref_squeeze %dma_wait3A_63 : memref<1x128xi32, #tpu.memory_space<vmem>> -> memref<128xi32, #tpu.memory_space<vmem>>
        %dma_wait3A_65 = arith.constant 0 : i32
        %dma_wait3A_66 = arith.constant 0 : i32
        %dma_wait3A_67 = tpu.memref_slice %arg2[%arg0, %dma_wait3A_65, %dma_wait3A_66] : memref<2x10000x32xf32, #tpu.memory_space<hbm>> -> memref<1x10000x32xf32, #tpu.memory_space<hbm>>
        %dma_wait3A_68 = tpu.memref_squeeze %dma_wait3A_67 : memref<1x10000x32xf32, #tpu.memory_space<hbm>> -> memref<10000x32xf32, #tpu.memory_space<hbm>>
        %dma_wait3A_69 = arith.constant 0 : i32
        %dma_wait3A_70 = arith.constant 0 : i32
        %dma_wait3A_71 = tpu.memref_slice %dma_wait3A_68[%dma_wait3A_69, %dma_wait3A_70] : memref<10000x32xf32, #tpu.memory_space<hbm>> -> memref<10000x32xf32, #tpu.memory_space<hbm>>
        tpu.wait_indirect_dma semaphore(%arg11 : memref<!tpu.dma_semaphore, #tpu.memory_space<semaphore_mem>>) src(%dma_wait3A_71 : memref<10000x32xf32, #tpu.memory_space<hbm>>) dst(%dma_wait3A_61 : memref<128x32xf32, #tpu.memory_space<vmem>>)
      } else {
      }
    }
    %scan3A_31 = arith.constant 158 : i32
    %barrier3A_32 = arith.constant 0 : index
    tpu.barrier barrier_id(%barrier3A_32)
    %mul3A_33 = arith.constant 624 : i32
    %mul3A_34 = arith.muli %arg1, %mul3A_33 : i32
    %mul3A_35 = arith.constant 624 : i32
    %mul3A_36 = arith.muli %arg1, %mul3A_35 : i32
    "tpu.region"() ({
      %run_scoped3A = tpu.sem_alloc : memref<!tpu.dma_semaphore, #tpu.memory_space<semaphore_mem>>
      %dma_start3A = arith.constant 0 : i32
      %dma_start3A_39 = tpu.memref_slice %arg5[%arg0, %mul3A_36, %dma_start3A] : memref<2x10000x32xf32, #tpu.memory_space<hbm>> -> memref<1x624x32xf32, #tpu.memory_space<hbm>>
      %dma_start3A_40 = tpu.memref_squeeze %dma_start3A_39 : memref<1x624x32xf32, #tpu.memory_space<hbm>> -> memref<624x32xf32, #tpu.memory_space<hbm>>
      %dma_start3A_41 = arith.constant 0 : i32
      %dma_start3A_42 = tpu.memref_slice %arg10[%mul3A_34, %dma_start3A_41] : memref<10240x32xf32, #tpu.memory_space<vmem_shared>> -> memref<624x32xf32, #tpu.memory_space<vmem_shared>>
      tpu.enqueue_dma source(%dma_start3A_42 : memref<624x32xf32, #tpu.memory_space<vmem_shared>>) target(%dma_start3A_40 : memref<624x32xf32, #tpu.memory_space<hbm>>) target_semaphore(%run_scoped3A : memref<!tpu.dma_semaphore, #tpu.memory_space<semaphore_mem>>)
      %dma_wait3A = arith.constant 0 : i32
      %dma_wait3A_43 = tpu.memref_slice %arg5[%arg0, %mul3A_36, %dma_wait3A] : memref<2x10000x32xf32, #tpu.memory_space<hbm>> -> memref<1x624x32xf32, #tpu.memory_space<hbm>>
      %dma_wait3A_44 = tpu.memref_squeeze %dma_wait3A_43 : memref<1x624x32xf32, #tpu.memory_space<hbm>> -> memref<624x32xf32, #tpu.memory_space<hbm>>
      %dma_wait3A_45 = arith.constant 0 : i32
      %dma_wait3A_46 = tpu.memref_slice %arg10[%mul3A_34, %dma_wait3A_45] : memref<10240x32xf32, #tpu.memory_space<vmem_shared>> -> memref<624x32xf32, #tpu.memory_space<vmem_shared>>
      tpu.wait_dma2 semaphore(%run_scoped3A : memref<!tpu.dma_semaphore, #tpu.memory_space<semaphore_mem>>) src(%dma_wait3A_46 : memref<624x32xf32, #tpu.memory_space<vmem_shared>>) dst(%dma_wait3A_44 : memref<624x32xf32, #tpu.memory_space<hbm>>)
      tpu.yield
    }) : () -> ()
    %eq3A = arith.constant 0 : i32
    %eq3A_37 = arith.cmpi eq, %arg1, %eq3A : i32
    %convert_element_type3A = arith.extui %eq3A_37 : i1 to i32
    %cond3A = arith.constant 0 : i32
    %cond3A_38 = arith.cmpi ne, %convert_element_type3A, %cond3A : i32
    scf.if %cond3A_38 {
      "tpu.region"() ({
        %run_scoped3A = tpu.sem_alloc : memref<!tpu.dma_semaphore, #tpu.memory_space<semaphore_mem>>
        %dma_start3A = arith.constant 9984 : i32
        %dma_start3A_39 = arith.constant 0 : i32
        %dma_start3A_40 = tpu.memref_slice %arg5[%arg0, %dma_start3A, %dma_start3A_39] : memref<2x10000x32xf32, #tpu.memory_space<hbm>> -> memref<1x16x32xf32, #tpu.memory_space<hbm>>
        %dma_start3A_41 = tpu.memref_squeeze %dma_start3A_40 : memref<1x16x32xf32, #tpu.memory_space<hbm>> -> memref<16x32xf32, #tpu.memory_space<hbm>>
        %dma_start3A_42 = arith.constant 9984 : i32
        %dma_start3A_43 = arith.constant 0 : i32
        %dma_start3A_44 = tpu.memref_slice %arg10[%dma_start3A_42, %dma_start3A_43] : memref<10240x32xf32, #tpu.memory_space<vmem_shared>> -> memref<16x32xf32, #tpu.memory_space<vmem_shared>>
        tpu.enqueue_dma source(%dma_start3A_44 : memref<16x32xf32, #tpu.memory_space<vmem_shared>>) target(%dma_start3A_41 : memref<16x32xf32, #tpu.memory_space<hbm>>) target_semaphore(%run_scoped3A : memref<!tpu.dma_semaphore, #tpu.memory_space<semaphore_mem>>)
        %dma_wait3A = arith.constant 9984 : i32
        %dma_wait3A_45 = arith.constant 0 : i32
        %dma_wait3A_46 = tpu.memref_slice %arg5[%arg0, %dma_wait3A, %dma_wait3A_45] : memref<2x10000x32xf32, #tpu.memory_space<hbm>> -> memref<1x16x32xf32, #tpu.memory_space<hbm>>
        %dma_wait3A_47 = tpu.memref_squeeze %dma_wait3A_46 : memref<1x16x32xf32, #tpu.memory_space<hbm>> -> memref<16x32xf32, #tpu.memory_space<hbm>>
        %dma_wait3A_48 = arith.constant 9984 : i32
        %dma_wait3A_49 = arith.constant 0 : i32
        %dma_wait3A_50 = tpu.memref_slice %arg10[%dma_wait3A_48, %dma_wait3A_49] : memref<10240x32xf32, #tpu.memory_space<vmem_shared>> -> memref<16x32xf32, #tpu.memory_space<vmem_shared>>
        tpu.wait_dma2 semaphore(%run_scoped3A : memref<!tpu.dma_semaphore, #tpu.memory_space<semaphore_mem>>) src(%dma_wait3A_50 : memref<16x32xf32, #tpu.memory_space<vmem_shared>>) dst(%dma_wait3A_47 : memref<16x32xf32, #tpu.memory_space<hbm>>)
        tpu.yield
      }) : () -> ()
    } else {
    }
    return
  }
}

module attributes {stable_mosaic.version = 14 : i64} {
  func.func @_stage1_body(%arg0: i32, %arg1: memref<1000x128xf32, #tpu.memory_space<vmem>>, %arg2: memref<128x128xf32, #tpu.memory_space<vmem>>, %arg3: memref<1000x1xf32, #tpu.memory_space<vmem>>, %arg4: memref<2x1000x64xf32, #tpu.memory_space<vmem>>) attributes {dimension_semantics = [#tpu.dimension_semantics<arbitrary>], iteration_bounds = array<i64: 10>, scalar_prefetch = 0 : i64, scratch_operands = 0 : i64, tpu.core_type = #tpu.core_type<tc>, window_params = [{transform_indices = @transform_0, window_bounds = array<i64: 1000, 128>}, {pipeline_mode = #tpu.pipeline_mode<synchronous>, transform_indices = @transform_1, window_bounds = array<i64: 128, 128>}, {transform_indices = @transform_2, window_bounds = array<i64: 1000, 1>}, {transform_indices = @transform_3, window_bounds = array<i64: 2, 1000, 64>}]} {
    %get3A = arith.constant 0 : index
    %get3A_0 = arith.constant 0 : index
    %get3A_1 = vector.load %arg1[%get3A, %get3A_0] : memref<1000x128xf32, #tpu.memory_space<vmem>>, vector<1000x128xf32>
    %get3A_2 = arith.constant 0 : index
    %get3A_3 = arith.constant 0 : index
    %get3A_4 = vector.load %arg2[%get3A_2, %get3A_3] : memref<128x128xf32, #tpu.memory_space<vmem>>, vector<128x128xf32>
    %dot_general3A = arith.constant dense<0.000000e+00> : vector<1000x128xf32>
    %dot_general3A_5 = tpu.matmul %get3A_1, %get3A_4, %dot_general3A {dimension_numbers = #tpu.dot_dimension_numbers<[1], [0], [0], [1], [0, 0, 1, 1], [], []>, transpose_lhs_hint = false} : vector<1000x128xf32>, vector<128x128xf32>, vector<1000x128xf32> -> vector<1000x128xf32>
    %get3A_6 = arith.constant 0 : index
    %get3A_7 = arith.constant 0 : index
    %get3A_8 = vector.load %arg3[%get3A_6, %get3A_7] : memref<1000x1xf32, #tpu.memory_space<vmem>>, vector<1000x1xf32>
    %mul3A = vector.broadcast %get3A_8 : vector<1000x1xf32> to vector<1000x128xf32>
    %mul3A_9 = arith.mulf %dot_general3A_5, %mul3A : vector<1000x128xf32>
    %slice3A = vector.extract_strided_slice %mul3A_9 {offsets = [0, 0], sizes = [1000, 64], strides = [1, 1]} : vector<1000x128xf32> to vector<1000x64xf32>
    %swap3A = arith.constant 0 : index
    %swap3A_10 = arith.constant 0 : index
    %swap3A_11 = arith.constant 0 : index
    %swap3A_12 = vector.load %arg4[%swap3A, %swap3A_10, %swap3A_11] : memref<2x1000x64xf32, #tpu.memory_space<vmem>>, vector<1x1000x64xf32>
    %swap3A_13 = vector.shape_cast %swap3A_12 : vector<1x1000x64xf32> to vector<1000x64xf32>
    %swap3A_14 = vector.shape_cast %slice3A : vector<1000x64xf32> to vector<1x1000x64xf32>
    tpu.vector_store %arg4[%swap3A, %swap3A_10, %swap3A_11], %swap3A_14 {strides = array<i32>} : memref<2x1000x64xf32, #tpu.memory_space<vmem>>, vector<1x1000x64xf32>,
    %slice3A_15 = vector.extract_strided_slice %mul3A_9 {offsets = [0, 64], sizes = [1000, 64], strides = [1, 1]} : vector<1000x128xf32> to vector<1000x64xf32>
    %swap3A_16 = arith.constant 1 : index
    %swap3A_17 = arith.constant 0 : index
    %swap3A_18 = arith.constant 0 : index
    %swap3A_19 = vector.load %arg4[%swap3A_16, %swap3A_17, %swap3A_18] : memref<2x1000x64xf32, #tpu.memory_space<vmem>>, vector<1x1000x64xf32>
    %swap3A_20 = vector.shape_cast %swap3A_19 : vector<1x1000x64xf32> to vector<1000x64xf32>
    %swap3A_21 = vector.shape_cast %slice3A_15 : vector<1000x64xf32> to vector<1x1000x64xf32>
    tpu.vector_store %arg4[%swap3A_16, %swap3A_17, %swap3A_18], %swap3A_21 {strides = array<i32>} : memref<2x1000x64xf32, #tpu.memory_space<vmem>>, vector<1x1000x64xf32>,
    return
  }
  func.func @transform_0(%arg0: i32) -> (i32, i32) {
    %c0_i32 = arith.constant 0 : i32
    %c0_i32_0 = arith.constant 0 : i32
    return %arg0, %c0_i32 : i32, i32
  }
  func.func @transform_1(%arg0: i32) -> (i32, i32) {
    %c0_i32 = arith.constant 0 : i32
    %c0_i32_0 = arith.constant 0 : i32
    %c0_i32_1 = arith.constant 0 : i32
    return %c0_i32, %c0_i32_0 : i32, i32
  }
  func.func @transform_2(%arg0: i32) -> (i32, i32) {
    %c0_i32 = arith.constant 0 : i32
    %c0_i32_0 = arith.constant 0 : i32
    return %arg0, %c0_i32 : i32, i32
  }
  func.func @transform_3(%arg0: i32) -> (i32, i32, i32) {
    %c0_i32 = arith.constant 0 : i32
    %c0_i32_0 = arith.constant 0 : i32
    %c0_i32_1 = arith.constant 0 : i32
    return %c0_i32, %arg0, %c0_i32_0 : i32, i32, i32
  }
}

module attributes {stable_mosaic.version = 14 : i64} {
  func.func @_stage2_body(%arg0: i32, %arg1: memref<2x1000x64xf32, #tpu.memory_space<vmem>>, %arg2: memref<1000x1xf32, #tpu.memory_space<vmem>>, %arg3: memref<128x64xf32, #tpu.memory_space<vmem>>, %arg4: memref<2x1000x32xf32, #tpu.memory_space<vmem>>) attributes {dimension_semantics = [#tpu.dimension_semantics<arbitrary>], iteration_bounds = array<i64: 10>, scalar_prefetch = 0 : i64, scratch_operands = 0 : i64, tpu.core_type = #tpu.core_type<tc>, window_params = [{transform_indices = @transform_0, window_bounds = array<i64: 2, 1000, 64>}, {transform_indices = @transform_1, window_bounds = array<i64: 1000, 1>}, {pipeline_mode = #tpu.pipeline_mode<synchronous>, transform_indices = @transform_2, window_bounds = array<i64: 128, 64>}, {transform_indices = @transform_3, window_bounds = array<i64: 2, 1000, 32>}]} {
    %get3A = arith.constant 0 : index
    %get3A_0 = arith.constant 0 : index
    %get3A_1 = vector.load %arg2[%get3A, %get3A_0] : memref<1000x1xf32, #tpu.memory_space<vmem>>, vector<1000x1xf32>
    %get3A_2 = arith.constant 0 : index
    %get3A_3 = arith.constant 0 : index
    %get3A_4 = arith.constant 0 : index
    %get3A_5 = vector.load %arg1[%get3A_2, %get3A_3, %get3A_4] : memref<2x1000x64xf32, #tpu.memory_space<vmem>>, vector<1x1000x64xf32>
    %get3A_6 = vector.shape_cast %get3A_5 : vector<1x1000x64xf32> to vector<1000x64xf32>
    %get3A_7 = arith.constant 1 : index
    %get3A_8 = arith.constant 0 : index
    %get3A_9 = arith.constant 0 : index
    %get3A_10 = vector.load %arg1[%get3A_7, %get3A_8, %get3A_9] : memref<2x1000x64xf32, #tpu.memory_space<vmem>>, vector<1x1000x64xf32>
    %get3A_11 = vector.shape_cast %get3A_10 : vector<1x1000x64xf32> to vector<1000x64xf32>
    %concatenate3A = tpu.concatenate %get3A_6, %get3A_11 in 1 : vector<1000x64xf32>, vector<1000x64xf32> -> vector<1000x128xf32>
    %mul3A = vector.broadcast %get3A_1 : vector<1000x1xf32> to vector<1000x128xf32>
    %mul3A_12 = arith.mulf %concatenate3A, %mul3A : vector<1000x128xf32>
    %max3A = arith.constant 0.000000e+00 : f32
    %max3A_13 = vector.broadcast %max3A : f32 to vector<1000x128xf32>
    %max3A_14 = arith.maximumf %mul3A_12, %max3A_13 : vector<1000x128xf32>
    %get3A_15 = arith.constant 0 : index
    %get3A_16 = arith.constant 0 : index
    %get3A_17 = vector.load %arg3[%get3A_15, %get3A_16] : memref<128x64xf32, #tpu.memory_space<vmem>>, vector<128x64xf32>
    %dot_general3A = arith.constant dense<0.000000e+00> : vector<1000x64xf32>
    %dot_general3A_18 = tpu.matmul %max3A_14, %get3A_17, %dot_general3A {dimension_numbers = #tpu.dot_dimension_numbers<[1], [0], [0], [1], [0, 0, 1, 1], [], []>, transpose_lhs_hint = false} : vector<1000x128xf32>, vector<128x64xf32>, vector<1000x64xf32> -> vector<1000x64xf32>
    %mul3A_19 = vector.broadcast %get3A_1 : vector<1000x1xf32> to vector<1000x64xf32>
    %mul3A_20 = arith.mulf %dot_general3A_18, %mul3A_19 : vector<1000x64xf32>
    %slice3A = vector.extract_strided_slice %mul3A_20 {offsets = [0, 0], sizes = [1000, 32], strides = [1, 1]} : vector<1000x64xf32> to vector<1000x32xf32>
    %swap3A = arith.constant 0 : index
    %swap3A_21 = arith.constant 0 : index
    %swap3A_22 = arith.constant 0 : index
    %swap3A_23 = vector.load %arg4[%swap3A, %swap3A_21, %swap3A_22] : memref<2x1000x32xf32, #tpu.memory_space<vmem>>, vector<1x1000x32xf32>
    %swap3A_24 = vector.shape_cast %swap3A_23 : vector<1x1000x32xf32> to vector<1000x32xf32>
    %swap3A_25 = vector.shape_cast %slice3A : vector<1000x32xf32> to vector<1x1000x32xf32>
    tpu.vector_store %arg4[%swap3A, %swap3A_21, %swap3A_22], %swap3A_25 {strides = array<i32>} : memref<2x1000x32xf32, #tpu.memory_space<vmem>>, vector<1x1000x32xf32>,
    %slice3A_26 = vector.extract_strided_slice %mul3A_20 {offsets = [0, 32], sizes = [1000, 32], strides = [1, 1]} : vector<1000x64xf32> to vector<1000x32xf32>
    %swap3A_27 = arith.constant 1 : index
    %swap3A_28 = arith.constant 0 : index
    %swap3A_29 = arith.constant 0 : index
    %swap3A_30 = vector.load %arg4[%swap3A_27, %swap3A_28, %swap3A_29] : memref<2x1000x32xf32, #tpu.memory_space<vmem>>, vector<1x1000x32xf32>
    %swap3A_31 = vector.shape_cast %swap3A_30 : vector<1x1000x32xf32> to vector<1000x32xf32>
    %swap3A_32 = vector.shape_cast %slice3A_26 : vector<1000x32xf32> to vector<1x1000x32xf32>
    tpu.vector_store %arg4[%swap3A_27, %swap3A_28, %swap3A_29], %swap3A_32 {strides = array<i32>} : memref<2x1000x32xf32, #tpu.memory_space<vmem>>, vector<1x1000x32xf32>,
    return
  }
  func.func @transform_0(%arg0: i32) -> (i32, i32, i32) {
    %c0_i32 = arith.constant 0 : i32
    %c0_i32_0 = arith.constant 0 : i32
    %c0_i32_1 = arith.constant 0 : i32
    return %c0_i32, %arg0, %c0_i32_0 : i32, i32, i32
  }
  func.func @transform_1(%arg0: i32) -> (i32, i32) {
    %c0_i32 = arith.constant 0 : i32
    %c0_i32_0 = arith.constant 0 : i32
    return %arg0, %c0_i32 : i32, i32
  }
  func.func @transform_2(%arg0: i32) -> (i32, i32) {
    %c0_i32 = arith.constant 0 : i32
    %c0_i32_0 = arith.constant 0 : i32
    %c0_i32_1 = arith.constant 0 : i32
    return %c0_i32, %c0_i32_0 : i32, i32
  }
  func.func @transform_3(%arg0: i32) -> (i32, i32, i32) {
    %c0_i32 = arith.constant 0 : i32
    %c0_i32_0 = arith.constant 0 : i32
    %c0_i32_1 = arith.constant 0 : i32
    return %c0_i32, %arg0, %c0_i32_0 : i32, i32, i32
  }
}

module attributes {stable_mosaic.version = 14 : i64} {
  func.func @_stage3_body(%arg0: i32, %arg1: memref<2x1000x32xf32, #tpu.memory_space<vmem>>, %arg2: memref<1000x1xf32, #tpu.memory_space<vmem>>, %arg3: memref<1000x64xf32, #tpu.memory_space<vmem>>) attributes {dimension_semantics = [#tpu.dimension_semantics<arbitrary>], iteration_bounds = array<i64: 10>, scalar_prefetch = 0 : i64, scratch_operands = 0 : i64, tpu.core_type = #tpu.core_type<tc>, window_params = [{transform_indices = @transform_0, window_bounds = array<i64: 2, 1000, 32>}, {transform_indices = @transform_1, window_bounds = array<i64: 1000, 1>}, {transform_indices = @transform_2, window_bounds = array<i64: 1000, 64>}]} {
    %get3A = arith.constant 0 : index
    %get3A_0 = arith.constant 0 : index
    %get3A_1 = arith.constant 0 : index
    %get3A_2 = vector.load %arg1[%get3A, %get3A_0, %get3A_1] : memref<2x1000x32xf32, #tpu.memory_space<vmem>>, vector<1x1000x32xf32>
    %get3A_3 = vector.shape_cast %get3A_2 : vector<1x1000x32xf32> to vector<1000x32xf32>
    %get3A_4 = arith.constant 1 : index
    %get3A_5 = arith.constant 0 : index
    %get3A_6 = arith.constant 0 : index
    %get3A_7 = vector.load %arg1[%get3A_4, %get3A_5, %get3A_6] : memref<2x1000x32xf32, #tpu.memory_space<vmem>>, vector<1x1000x32xf32>
    %get3A_8 = vector.shape_cast %get3A_7 : vector<1x1000x32xf32> to vector<1000x32xf32>
    %concatenate3A = tpu.concatenate %get3A_3, %get3A_8 in 1 : vector<1000x32xf32>, vector<1000x32xf32> -> vector<1000x64xf32>
    %get3A_9 = arith.constant 0 : index
    %get3A_10 = arith.constant 0 : index
    %get3A_11 = vector.load %arg2[%get3A_9, %get3A_10] : memref<1000x1xf32, #tpu.memory_space<vmem>>, vector<1000x1xf32>
    %mul3A = vector.broadcast %get3A_11 : vector<1000x1xf32> to vector<1000x64xf32>
    %mul3A_12 = arith.mulf %concatenate3A, %mul3A : vector<1000x64xf32>
    %swap3A = arith.constant 0 : index
    %swap3A_13 = arith.constant 0 : index
    %swap3A_14 = vector.load %arg3[%swap3A, %swap3A_13] : memref<1000x64xf32, #tpu.memory_space<vmem>>, vector<1000x64xf32>
    tpu.vector_store %arg3[%swap3A, %swap3A_13], %mul3A_12 {strides = array<i32>} : memref<1000x64xf32, #tpu.memory_space<vmem>>, vector<1000x64xf32>,
    return
  }
  func.func @transform_0(%arg0: i32) -> (i32, i32, i32) {
    %c0_i32 = arith.constant 0 : i32
    %c0_i32_0 = arith.constant 0 : i32
    %c0_i32_1 = arith.constant 0 : i32
    return %c0_i32, %arg0, %c0_i32_0 : i32, i32, i32
  }
  func.func @transform_1(%arg0: i32) -> (i32, i32) {
    %c0_i32 = arith.constant 0 : i32
    %c0_i32_0 = arith.constant 0 : i32
    return %arg0, %c0_i32 : i32, i32
  }
  func.func @transform_2(%arg0: i32) -> (i32, i32) {
    %c0_i32 = arith.constant 0 : i32
    %c0_i32_0 = arith.constant 0 : i32
    return %arg0, %c0_i32 : i32, i32
  }
}

</mosaic_0001>

<sc_bundles>
// kernel: kernel.10.cloned.1.call-start
scs
__scs_entry_jumppad:
0x0: {  	(pc) =	sbr.rel $0x88, $3  }
0x1: {  	(tag) =	ssettag $0x0;
	lr =	simm.s32 $0x1  }
0x2: {  	[smem:$0x3F9C] =	sst lr;
	_ =	strace $0xD0000000  }
0x3: {  	_ = 	snop  }
0x4: {  	_ = 	snop  }
0x5: {  	_ = 	snop  }
0x6: {  	_ = 	snop  }
0x7: {  	_ = 	snop  }
__scs_overlays_trampoline_lowered:
0x8: {  	[smem:$0x3FAB] =	sst s0  }
0x9: {  	[smem:$0x3FAC] =	sst s1  }
0xa: {  	[smem:$0x3FAD] =	sst s2  }
0xb: {  	[smem:$0x3FAE] =	sst s3  }
0xc: {  	[smem:$0x3FAF] =	sst s4  }
0xd: {  	[smem:$0x3FB0] =	sst s5  }
0xe: {  	[smem:$0x3FB1] =	sst s6  }
0xf: {  	[smem:$0x3FB2] =	sst s7  }
0x10: {  	[smem:$0x3FB3] =	sst s8  }
0x11: {  	[smem:$0x3FB4] =	sst s9;
	s0 =	simm.s32 @!p0 $0x0  }
0x12: {  	s1 =	sld [smem:$0x3F9A];
	s0 =	simm.s32 @p0 $0x1  }
0x13: {  	[smem:$0x3FB5] =	sst s0;
	s0 =	simm.s32 @!p1 $0x0  }
0x14: {  	s2 =	sld [smem:$0x3F99];
	s0 =	simm.s32 @p1 $0x1  }
0x15: {  	[smem:$0x3FB6] =	sst s0;
	s0 =	simm.s32 @!p2 $0x0  }
0x16: {  	s3 =	sld [smem:$0x3FDB];
	s0 =	simm.s32 @p2 $0x1  }
0x17: {  	s4 =	simm.s32 $0x1BF5;
	[smem:$0x3FB8] =	sst s0  }
0x18: {  	s0 =	sld [smem:$0x3F9B];
	_ =	swait.ge [sflag:s4], $0x0  }
0x19: {  	s7 =	sld [smem:$0x3F9C]  }
0x1a: {  	s8 =	sadd.s32 $0xFFFFE003, lr  }
0x1b: {  	s9 =	sadd.s32 $0xFFFFFEF7, lr;
	s5 =	simm.s32 $0xFFFFFFFF;
	p2 =	slt.u32 s8, $0xFFFFF086  }
0x1c: {  	p1 =	slt.u32 s9, $0xF7A;
	s5 =	simm.s32 @!p2 $0x0  }
0x1d: {  	s5 =	simm.s32 @p1 $0x1;
	p0 =	seq.s32 s7, s2  }
0x1e: {  	s7 =	smul.u32 @!p0 $0xF7A, s2;
	p2 =	seq.s32 @!p0 s5, $0x0  }
0x1f: {  	s9 =	smul.u32 $0xF7A, s1;
	s8 =	simm.s32 @!p0 $0x1BF5;
	p2 =	por !p2, p0  }
0x20: {  	[sflag:s8] =	ssyncset.s32 @!p0 $0xFFFFF086;
	s6 =	sadd.s32 @!p0 s3, s7;
	s7 =	simm.s32 @!p0 $0x108  }
0x21: {  	s3 =	sadd.s32 s3, s9;
	s6 =	sadd.s32 @!p0 $0x88, s6;
	s7 =	simm.s32 @p2 $0x1082  }
0x22: {  	[simem:s7], [sflag:s8] =	dma.local @!p0 [hbm:s6], $0xF7A  }
0x23: {  	s9 =	sor.u32 $0xD0000000, s2;
	s6 =	simm.s32 $0x108;
	_ =	swait.ge @!p0 [sflag:s8], $0x0  }
0x24: {  	s3 =	sadd.s32 $0x88, s3;
	s6 =	simm.s32 @!p1 $0x1082;
	[sflag:s4] =	ssyncset.s32 $0xFFFFF086  }
0x25: {  	[simem:s6], [sflag:s4] =	dma.local [hbm:s3], $0xF7A  }
0x26: {  	[smem:$0x3F9C] =	sst s1;
	(tag) =	ssettag s2;
	_ =	strace s9  }
0x27: {  	s1 =	sld [smem:$0x3FAC]  }
0x28: {  	s2 =	sld [smem:$0x3FAD]  }
0x29: {  	s4 =	sld [smem:$0x3FAF]  }
0x2a: {  	p0 =	seq.s32 s5, $0x0;
	s5 =	sld [smem:$0x3FB0]  }
0x2b: {  	s6 =	sld [smem:$0x3FB1]  }
0x2c: {  	s7 =	sld [smem:$0x3FB2]  }
0x2d: {  	s3 =	simm.s32 $0x108;
	s8 =	sld [smem:$0x3FB3]  }
0x2e: {  	s3 =	simm.s32 @!p0 $0x1082;
	s9 =	sld [smem:$0x3FB4]  }
0x2f: {  	lr =	sadd.s32 s0, s3;
	s0 =	sld [smem:$0x3FAB]  }
0x30: {  	s3 =	sld [smem:$0x3FAE]  }
0x31: {  	[smem:$0x3FB7] =	sst s10  }
0x32: {  	s10 =	sld [smem:$0x3FB5];
	_ =	sdelay $0x3  }
0x33: {  	p0 =	seq.s32 s10, $0x1;
	s10 =	sld [smem:$0x3FB7];
	_ =	sdelay $0x3  }
0x34: {  	[smem:$0x3FB7] =	sst s10  }
0x35: {  	s10 =	sld [smem:$0x3FB6];
	_ =	sdelay $0x3  }
0x36: {  	p1 =	seq.s32 s10, $0x1;
	s10 =	sld [smem:$0x3FB7];
	_ =	sdelay $0x3  }
0x37: {  	[smem:$0x3FB7] =	sst s10  }
0x38: {  	s10 =	sld [smem:$0x3FB8]  }
0x39: {  	_ = 	snop;
	(pc) =	sbr.ind lr, $3  }
0x3a: {  	_ = 	snop  }
0x3b: {  	_ = 	snop  }
0x3c: {  	p2 =	seq.s32 s10, $0x1;
	s10 =	sld [smem:$0x3FB7]  }
0x3d: {  	_ =	shalt  }
0x3e: {  	_ =	shalt  }
0x3f: {  	_ =	shalt  }
0x40: {  	_ =	shalt  }
0x41: {  	_ =	shalt  }
0x42: {  	_ =	shalt  }
0x43: {  	_ =	shalt  }
0x44: {  	_ =	shalt  }
0x45: {  	_ =	shalt  }
0x46: {  	_ =	shalt  }
0x47: {  	_ =	shalt  }
0x48: {  	_ =	shalt  }
0x49: {  	_ =	shalt  }
0x4a: {  	_ =	shalt  }
0x4b: {  	_ =	shalt  }
0x4c: {  	_ =	shalt  }
0x4d: {  	_ =	shalt  }
0x4e: {  	_ =	shalt  }
0x4f: {  	_ =	shalt  }
0x50: {  	_ =	shalt  }
0x51: {  	_ =	shalt  }
0x52: {  	_ =	shalt  }
0x53: {  	_ =	shalt  }
0x54: {  	_ =	shalt  }
0x55: {  	_ =	shalt  }
0x56: {  	_ =	shalt  }
0x57: {  	_ =	shalt  }
0x58: {  	_ =	shalt  }
0x59: {  	_ =	shalt  }
0x5a: {  	_ =	shalt  }
0x5b: {  	_ =	shalt  }
0x5c: {  	_ =	shalt  }
0x5d: {  	_ =	shalt  }
0x5e: {  	_ =	shalt  }
0x5f: {  	_ =	shalt  }
0x60: {  	_ =	shalt  }
0x61: {  	_ =	shalt  }
0x62: {  	_ =	shalt  }
0x63: {  	_ =	shalt  }
0x64: {  	_ =	shalt  }
0x65: {  	_ =	shalt  }
0x66: {  	_ =	shalt  }
0x67: {  	_ =	shalt  }
0x68: {  	_ =	shalt  }
0x69: {  	_ =	shalt  }
0x6a: {  	_ =	shalt  }
0x6b: {  	_ =	shalt  }
0x6c: {  	_ =	shalt  }
0x6d: {  	_ =	shalt  }
0x6e: {  	_ =	shalt  }
0x6f: {  	_ =	shalt  }
0x70: {  	_ =	shalt  }
0x71: {  	_ =	shalt  }
0x72: {  	_ =	shalt  }
0x73: {  	_ =	shalt  }
0x74: {  	_ =	shalt  }
0x75: {  	_ =	shalt  }
0x76: {  	_ =	shalt  }
0x77: {  	_ =	shalt  }
0x78: {  	_ =	shalt  }
0x79: {  	_ =	shalt  }
0x7a: {  	_ =	shalt  }
0x7b: {  	_ =	shalt  }
0x7c: {  	_ =	shalt  }
0x7d: {  	_ =	shalt  }
0x7e: {  	_ =	shalt  }
0x7f: {  	_ =	shalt  }
0x80: {  	_ =	shalt  }
0x81: {  	_ =	shalt  }
0x82: {  	_ =	shalt  }
0x83: {  	_ =	shalt  }
0x84: {  	_ =	shalt  }
0x85: {  	_ =	shalt  }
0x86: {  	_ =	shalt  }
0x87: {  	_ =	shalt  }
.Lfunc_end0:
.L_simem_size_0:
called_computation.1_lowered:
.L_overlay_start_0:
0x88: {  	s2 =	sld [smem:$0x3FD9]  }
0x89: {  	s3 =	sld [smem:$0x3FFE];
	_ =	sdelay $0x1  }
0x8a: {  	s1 =	srdreg.scid  }
0x8b: {  	s0 =	sand.u32 $0x1, s1  }
0x8c: {  	s17 =	sshll.u32 s0, $0xA;
	s2 =	sadd.s32 s3, s2  }
0x8d: {  	s2 =	sadd.s32 s2, s17  }
0x8e: {  	[smem:$0x3FC3] =	sst s2  }
0x8f: {  	_ = 	snop  }
0x90: {  	s2 =	sld [smem:$0x3FD0];
	(tm) =	ssettm $0x1  }
0x91: {  	s18 =	sld [smem:$0x3FFB];
	_ =	sdelay $0x3  }
0x92: {  	_ =	strace s18  }
0x93: {  	s3 =	sld [smem:$0x3FFC];
	_ =	sdelay $0x3  }
0x94: {  	_ =	strace s3  }
0x95: {  	s3 =	sld [smem:$0x3FFD];
	_ =	sdelay $0x3  }
0x96: {  	_ =	strace s3  }
0x97: {  	_ =	strace $0x8FFFFFFF  }
0x98: {  	s19 =	sld [smem:$0x3FDB];
	_ =	sdelay $0x1  }
0x99: {  	s4 =	simm.s32 $_scs_section_size  }
0x9a: {  	s5 =	simm.s32 $_size__tile_overlayer_lowered;
	s6 =	simm.s32 $_tile_overlayer_lowered  }
0x9b: {  	s22 =	simm.s32 $0x1BFF;
	s21 =	sshll.u32 s6, $0x1;
	s3 =	sadd.s32 s4, s19  }
0x9c: {  	s7 =	simm.s32 $0x0;
	s20 =	sshll.u32 s5, $0x1;
	s5 =	sadd.s32 s21, s3  }
0x9d: {  	[timem:s7], [sflag:s22] =	dma.local [hbm:s5], s20  }
0x9e: {  	_ =	swait.ge [sflag:s22], s20  }
0x9f: {  	s4 =	ssub.s32 $0x0, s20;
	[sflag:s22] =	ssyncset.done $0x0  }
0xa0: {  	[sflag:s22] =	ssyncadd.s32 s4;
	_ =	sdelay $0x1  }
0xa1: {  	s23 =	simm.s32 $0x1B8B  }
0xa2: {  	_ =	swait.ge [sflag:s23], $0x1  }
0xa3: {  	[sflag:s23] =	ssyncset.done $0x0  }
0xa4: {  	s25 =	simm.s32 $0x1B8E;
	s24 =	sld [smem:$0x3FFE];
	[sflag:s23] =	ssyncadd.s32 $0xFFFFFFFF  }
0xa5: {  	s26 =	simm.s32 $execute0_lowered;
	[smem:$0x3FD2] =	sst s25  }
0xa6: {  	s5 =	sshll.u32 s26, $0x1;
	_ =	strace $0x80000049;
	[dreg:$0x1] =	wrdreg $0xFFFFFFFF  }
0xa7: {  	s28 =	simm.s32 $_size_execute0_lowered;
	s3 =	sadd.s32 s3, s5;
	[dreg:$0x0] =	wrdreg $0x0  }
0xa8: {  	s5 =	sshll.u32 s28, $0x1;
	[dreg:$0x2] =	wrdreg s3  }
0xa9: {  	[dreg:$0x3] =	wrdreg s5  }
0xaa: {  	[dreg:$0x4] =	wrdreg $0xC0  }
0xab: {  	_ =	task [dreg:s7], $0x5FFFF  }
0xac: {  	[dreg:$0x1] =	wrdreg $0xFFFFFFFF  }
0xad: {  	[dreg:$0x0] =	wrdreg $0x60  }
0xae: {  	[dreg:$0x2] =	wrdreg s2  }
0xaf: {  	[dreg:$0x3] =	wrdreg s24  }
0xb0: {  	[dreg:$0x4] =	wrdreg $0xCD000  }
0xb1: {  	[dreg:$0x5] =	wrdreg $0x9  }
0xb2: {  	_ =	task.clear_ibuf [dreg:s7], $0x6FFFF;
	_ =	strace $0x90000049  }
0xb3: {  	s29 =	simm.s32 $0x9;
	_ =	strace $0x8000004B  }
0xb4: {  	_ =	swait.ge [sflag:s29], $0x1  }
0xb5: {  	[sflag:s29] =	ssyncadd.s32 $0xFFFFFFFF  }
0xb6: {  	_ =	strace $0x9000004B  }
0xb7: {  	_ =	sfence  }
0xb8: {  	s30 =	sld [smem:$0x0];
	_ =	sdelay $0x2  }
0xb9: {  	s31 =	sshll.u32 s1, $0xD;
	s1 =	sshrl.u32 s1, $0x2  }
0xba: {  	s3 =	sand.u32 $0x4000, s31;
	s1 =	sadd.s32 s1, s30  }
0xbb: {  	s0 =	sor.u32 s3, s0;
	s1 =	sshll.u32 s1, $0x11  }
0xbc: {  	s0 =	sor.u32 s1, s0  }
0xbd: {  	s0 =	sadd.s32 $0x8F2B, s0  }
0xbe: {  	[sflag:s0] =	ssyncadd.remote.s32 $0x1  }
0xbf: {  	_ =	sfence.sel $0xFFFF  }
0xc0: {  	[dreg:$0x0] =	wrdreg $0xFFFFFFFF;
	(pc) =	sbr.abs _section_cstart, $3  }
0xc1: {  	[dreg:$0x1] =	wrdreg $0xFFFFFFFF  }
0xc2: {  	_ =	task.clear_ibuf [dreg:s7], $0x2FFFF;
	_ =	strace $0x9FFFFFFF  }
0xc3: {  	(tm) =	ssettm $0x7FFFFFFF  }
tec
execute0_lowered:
.L_overlay_start_1:
0x0: {  	(tag) =	ssettag $0x1  }
0x1: {  	s11 =	rddreg [dreg:$0x0]  }
0x2: {  	s4 =	rddreg [dreg:$0x1]  }
0x3: {  	s1 =	rddreg [dreg:$0x2]  }
0x4: {  	s0 =	rddreg [dreg:$0x3]  }
0x5: {  	s2 =	simm.s32 $0x0;
	s3 =	stileid.u32;
	s5 =	srdreg.scid  }
0x6: {  	s19 =	simm.s32 $0x1;
	s20 =	simm.s32 $0x80;
	s21 =	simm.s32 $0x9C80  }
0x7: {  	s24 =	simm.s32 $0x0;
	[smem:$0x7FF] =	sst s2;
	s6 =	smul.u32 $0x9D0, s3  }
0x8: {  	s10 =	sand.u32 $0x1, s5;
	s7 =	smul.u32 $0x14000, s3;
	s13 =	sadd.s32 $0x800, s4  }
0x9: {  	s15 =	smul.u32 $0x4E00, s3;
	s23 =	sadd.s32 $0x4E000, s1;
	p0 =	sne.s32 s3, $0x0  }
0xa: {  	_ =	strace $0x8000004A;
	s5 =	ssub.s32 $0x2, s10;
	s12 =	smul.u32 $0x4E200, s10  }
0xb: {  	s16 =	smul.u32 $0x9C40, s10;
	s23 =	sshrl.u32 @!p0 s23, $0x3;
	s6 =	sadd.s32 s6, s4  }
0xc: {  	s30 =	sshrl.u32 s5, $0x1;
	s31 =	sshrl.u32 s7, $0x2;
	s22 =	sadd.s32 s15, s1  }
0xd: {  	s14 =	ssub.s32 s5, s30;
	s4 =	sadd.s32 $0x31800, s6;
	s5 =	sadd.s32 s31, s1  }
0xe: {  	s6 =	sadd.s32 $0x27A00, s6;
	s17 =	sadd.s32 s15, s12;
	s18 =	sshrl.u32 s12, $0x3  }
0xf: {  	s11 =	sadd.s32 s11, s16;
	s15 =	simm.s32 $0x2;
	s16 =	simm.s32 $0x4E80  }
0x10: {  	s22 =	sshrl.u32 s22, $0x3;
	s7 =	sadd.s32 $0x1000, s5;
	s8 =	sadd.s32 $0x2000, s5  }
0x11: {  	s9 =	sadd.s32 $0x3000, s5;
	s10 =	sadd.s32 $0x4000, s5;
	s17 =	sshrl.u32 s17, $0x3  }
0x12: {  	s14 =	smax.u32 s14, $0x1;
	s12 =	sadd.s32 s13, s17;
	s13 =	sadd.s32 s13, s18  }
0x13: {  	v0 =	vimm.f32 $0.0e+00;
	s17 =	simm.s32 $0xBD00;
	s18 =	simm.s32 $0x9D00;
	s13 =	sadd.s32 $0x9C00, s13  }
.LBB2_1:
0x14: {  	[tilespmem:s2], [sflag:$0x2] =	stream.linear.gather [hbm4b:s4+s2], $0x4E80, $0x38;
	[tilespmem:$0x11D00] =	vst v63  }
0x15: {  	_ =	swait.ge [sflag:s15], $0x4E80  }
0x16: {  	[sflag:s15] =	ssyncset.done $0x0  }
0x17: {  	[sflag:s15] =	ssyncadd.s32 $0xFFFFB180  }
0x18: {  	[tilespmem:s16], [sflag:$0x2] =	stream.linear.gather [hbm4b:s6+s2], $0x4E80, $0x38;
	[tilespmem:$0x11D00] =	vst v63  }
0x19: {  	_ =	swait.ge [sflag:s15], $0x4E80  }
0x1a: {  	[sflag:s15] =	ssyncset.done $0x0  }
0x1b: {  	s25 =	simm.s32 $0x80;
	s26 =	simm.s32 $0x0;
	[sflag:s15] =	ssyncadd.s32 $0xFFFFB180  }
.LBB2_2:
0x1c: {  	p1 =	sne.s32 s25, $0x3F80;
	[tilespmem:s26+$0xBD00] =	vst v0;
	s28 =	smov.u32 s25;
	s25 =	sadd.s32 $0x80, s25  }
.Ltmp0:
0x1d: {  	[tilespmem:s26+$0xBD10] =	vst v0;
	(pc) =	sbr.rel @p1 .LBB2_2-.Ltmp0, $2  }
0x1e: {  	_ =	sdelay $0x2  }
0x1f: {  	s26 =	sshra.s32 s28, $0x2  }
0x20: {  	[tilespmem:s26+$0xBD00] =	vst v0  }
0x21: {  	[tilespmem:s26+$0xBD10] =	vst v0  }
0x22: {  	[spmem:s5] =	stream.linear.scatter [tilespmem:s17], [sflag:$0x2], $0x1000, $0x38;
	[tilespmem:$0x11D00] =	vst v63  }
0x23: {  	_ =	swait.ge [sflag:s15], $0x1000  }
0x24: {  	[sflag:s15] =	ssyncset.done $0x0  }
0x25: {  	[sflag:s15] =	ssyncadd.s32 $0xFFFFF000  }
0x26: {  	[spmem:s7] =	stream.linear.scatter [tilespmem:s17], [sflag:$0x2], $0x1000, $0x38;
	[tilespmem:$0x11D00] =	vst v63  }
0x27: {  	_ =	swait.ge [sflag:s15], $0x1000  }
0x28: {  	[sflag:s15] =	ssyncset.done $0x0  }
0x29: {  	[sflag:s15] =	ssyncadd.s32 $0xFFFFF000  }
0x2a: {  	[spmem:s8] =	stream.linear.scatter [tilespmem:s17], [sflag:$0x2], $0x1000, $0x38;
	[tilespmem:$0x11D00] =	vst v63  }
0x2b: {  	_ =	swait.ge [sflag:s15], $0x1000  }
0x2c: {  	[sflag:s15] =	ssyncset.done $0x0  }
0x2d: {  	[sflag:s15] =	ssyncadd.s32 $0xFFFFF000  }
0x2e: {  	[spmem:s9] =	stream.linear.scatter [tilespmem:s17], [sflag:$0x2], $0x1000, $0x38;
	[tilespmem:$0x11D00] =	vst v63  }
0x2f: {  	_ =	swait.ge [sflag:s15], $0x1000  }
0x30: {  	[sflag:s15] =	ssyncset.done $0x0  }
0x31: {  	[sflag:s15] =	ssyncadd.s32 $0xFFFFF000  }
0x32: {  	[spmem:s10] =	stream.linear.scatter [tilespmem:s17], [sflag:$0x2], $0x1000, $0x38;
	[tilespmem:$0x11D00] =	vst v63  }
0x33: {  	_ =	swait.ge [sflag:s15], $0x1000  }
0x34: {  	[sflag:s15] =	ssyncset.done $0x0  }
0x35: {  	[sflag:s15] =	ssyncadd.s32 $0xFFFFF000  }
0x36: {  	s25 =	simm.s32 $0x80;
	s31 =	simm.s32 $0x4000;
	[bflag:$0x0] =	sbarrier.arrive $0xFFFF  }
0x37: {  	[tilespmem:s18], [sflag:$0x1] =	stream.indirect.gather [hbm4b:s11+s25], $0x20, s2, s25, $0xb8;
	[tilespmem:$0x11D00] =	vst v63  }
0x38: {  	s26 =	sand.u32 $0x4000, s31;
	_ =	swait.ge [sflag:s19], $0x1000  }
0x39: {  	s28 =	simm.s32 $0x0;
	s26 =	sshrl.u32 s26, $0x2;
	[sflag:s19] =	ssyncset.done $0x0  }
0x3a: {  	s28 =	sand.u32 $0x4000, s28;
	s26 =	sadd.s32 $0x9D00, s26;
	[sflag:s19] =	ssyncadd.s32 $0xFFFFF000  }
0x3b: {  	[tilespmem:s26], [sflag:$0x1] =	stream.indirect.gather [hbm4b:s11+s20], $0x20, s25, s20, $0xb8;
	[tilespmem:$0x11D00] =	vst v63  }
0x3c: {  	s26 =	sshrl.u32 s28, $0x2  }
0x3d: {  	s31 =	simm.s32 $0x4E80;
	s25 =	sadd.s32 $0x9D00, s26  }
0x3e: {  	[spmem:s1] =	stream.indirect.scatter.add.f32 [tilespmem:s25], [sflag:$0x2], $0x20, s31, s20, $0xb8;
	[tilespmem:$0x11D00] =	vst v63  }
0x3f: {  	_ =	swait.ge [sflag:s15], $0x1000  }
0x40: {  	s28 =	simm.s32 $0x8000;
	[sflag:s15] =	ssyncset.done $0x0  }
0x41: {  	s29 =	simm.s32 $0xC000;
	s30 =	sand.u32 $0x4000, s28;
	[sflag:s15] =	ssyncadd.s32 $0xFFFFF000  }
0x42: {  	s26 =	simm.s32 $0x4F00;
	s25 =	simm.s32 $0x100;
	_ =	swait.ge [sflag:s19], $0x1000  }
.LBB2_4:
0x43: {  	s30 =	sshrl.u32 s30, $0x2  }
0x44: {  	s31 =	sadd.s32 $0xFFFFC000, s28;
	[sflag:s19] =	ssyncset.done $0x0;
	s28 =	smov.u32 s29  }
0x45: {  	s30 =	sadd.s32 $0x9D00, s30;
	s31 =	sand.u32 $0x4000, s31;
	[sflag:s19] =	ssyncadd.s32 $0xFFFFF000  }
0x46: {  	[tilespmem:s30], [sflag:$0x1] =	stream.indirect.gather [hbm4b:s11+s20], $0x20, s25, s20, $0xb8;
	[tilespmem:$0x11D00] =	vst v63  }
0x47: {  	p1 =	sne.s32 s29, $0x270000;
	s29 =	sadd.s32 $0x4000, s29;
	s30 =	sshrl.u32 s31, $0x2  }
0x48: {  	s30 =	sadd.s32 $0x9D00, s30  }
0x49: {  	[spmem:s1] =	stream.indirect.scatter.add.f32 [tilespmem:s30], [sflag:$0x2], $0x20, s26, s20, $0xb8;
	[tilespmem:$0x11D00] =	vst v63  }
.Ltmp1:
0x4a: {  	_ = 	snop;
	(pc) =	sbr.rel @p1 .LBB2_4-.Ltmp1, $4  }
0x4b: {  	_ =	swait.ge [sflag:s15], $0x1000  }
0x4c: {  	[sflag:s15] =	ssyncset.done $0x0  }
0x4d: {  	s25 =	sadd.s32 $0x80, s25;
	[sflag:s15] =	ssyncadd.s32 $0xFFFFF000  }
0x4e: {  	s30 =	sand.u32 $0x4000, s28;
	s26 =	sadd.s32 $0x80, s26;
	_ =	swait.ge [sflag:s19], $0x1000  }
0x4f: {  	s29 =	sshrl.u32 s30, $0x2;
	s28 =	sadd.s32 $0xFFFFC000, s28;
	[sflag:s19] =	ssyncset.done $0x0  }
0x50: {  	s29 =	sadd.s32 $0x9D00, s29;
	s28 =	sand.u32 $0x4000, s28;
	[sflag:s19] =	ssyncadd.s32 $0xFFFFF000  }
0x51: {  	[tilespmem:s29], [sflag:$0x1] =	stream.indirect.gather [hbm4b:s11+s20], $0x20, s25, s20, $0xb8;
	[tilespmem:$0x11D00] =	vst v63  }
0x52: {  	s30 =	sshrl.u32 s28, $0x2  }
0x53: {  	s25 =	sadd.s32 $0x9D00, s30  }
0x54: {  	[spmem:s1] =	stream.indirect.scatter.add.f32 [tilespmem:s25], [sflag:$0x2], $0x20, s26, s20, $0xb8;
	[tilespmem:$0x11D00] =	vst v63  }
0x55: {  	_ =	swait.ge [sflag:s15], $0x1000  }
0x56: {  	[sflag:s15] =	ssyncset.done $0x0  }
0x57: {  	[sflag:s15] =	ssyncadd.s32 $0xFFFFF000  }
0x58: {  	_ =	swait.ge [sflag:s19], $0x1000  }
0x59: {  	[sflag:s19] =	ssyncset.done $0x0  }
0x5a: {  	[sflag:s19] =	ssyncadd.s32 $0xFFFFF000  }
0x5b: {  	[spmem:s1] =	stream.indirect.scatter.add.f32 [tilespmem:s18], [sflag:$0x2], $0x20, s21, s20, $0xb8;
	[tilespmem:$0x11D00] =	vst v63  }
0x5c: {  	_ =	swait.ge [sflag:s15], $0x1000  }
0x5d: {  	[sflag:s15] =	ssyncset.done $0x0  }
0x5e: {  	s31 =	sshll.u32 s3, $0x6;
	[sflag:s15] =	ssyncadd.s32 $0xFFFFF000  }
0x5f: {  	s25 =	sor.u32 $0x1C02, s31;
	[bflag:$0x0] =	sbarrier.arrive $0xFFFF  }
0x60: {  	[hbm:s12], [sflag:s25] =	dma.local [spmem:s22], $0x9C0  }
0x61: {  	_ =	swait.ge [sflag:s15], $0x9C0  }
0x62: {  	s24 =	sadd.s32 $0x1, s24;
	[sflag:s15] =	ssyncset.done $0x0  }
0x63: {  	p1 =	sne.s32 s24, s14;
	[sflag:s15] =	ssyncadd.s32 $0xFFFFF640  }
0x64: {  	[hbm:s13], [sflag:s25] =	dma.local @!p0 [spmem:s23], $0x40  }
.Ltmp2:
0x65: {  	_ = 	snop;
	(pc) =	sbr.rel @p1 .LBB2_1-.Ltmp2, $4  }
0x66: {  	s25 =	simm.s32 @!p0 $0x2  }
0x67: {  	_ =	swait.ge @!p0 [sflag:s25], $0x40  }
0x68: {  	[sflag:s25] =	ssyncset.done @!p0 $0x0  }
0x69: {  	[sflag:s25] =	ssyncadd.s32 @!p0 $0xFFFFFFC0  }
0x6a: {  	_ =	sfence.sel $0x180000  }
0x6b: {  	[bflag:$0x0] =	sbarrier.arrive $0xFFFF  }
0x6c: {  	_ =	strace $0x9000004A  }
0x6d: {  	s0 =	sadd.s32 @!p0 $0x100000, s0;
	[bflag:$0x2] =	sbarrier.arrive $0xFFFF  }
0x6e: {  	[sflag:s0] =	ssyncadd.tile.s32 @!p0 $0x1;
	_ =	shalt  }
.Lfunc_end2:
_tile_overlayer_lowered:
.L_overlay_start_2:
0x6f: {  	(tag) =	ssettag $0x2  }
0x70: {  	s0 =	rddreg [dreg:$0x0];
	s2 =	stileid.u32  }
0x71: {  	s1 =	rddreg [dreg:$0x1];
	p0 =	sne.s32 s2, $0x0  }
0x72: {  	s3 =	rddreg [dreg:$0x2];
	[bflag:$0x3] =	sbarrier.arrive $0xFFFF;
	s2 =	simm.s32 @!p0 $0x1C02  }
0x73: {  	[timem:s3], [sflag:s2] =	dma.local @!p0 [hbm:s0], s1  }
0x74: {  	s0 =	simm.s32 @!p0 $0x2  }
0x75: {  	_ =	swait.ge @!p0 [sflag:s0], s1  }
0x76: {  	s1 =	ssub.s32 @!p0 $0x0, s1;
	[sflag:s0] =	ssyncset.done @!p0 $0x0  }
0x77: {  	[sflag:s0] =	ssyncadd.s32 @!p0 s1  }
0x78: {  	[bflag:$0x3] =	sbarrier.arrive $0xFFFF  }
0x79: {  	_ =	shalt  }

// kernel: kernel.7.cloned.1.call-start
scs
__scs_entry_jumppad:
0x0: {  	(pc) =	sbr.rel $0x88, $3  }
0x1: {  	(tag) =	ssettag $0x0;
	lr =	simm.s32 $0x1  }
0x2: {  	[smem:$0x3F9C] =	sst lr;
	_ =	strace $0xD0000000  }
0x3: {  	_ = 	snop  }
0x4: {  	_ = 	snop  }
0x5: {  	_ = 	snop  }
0x6: {  	_ = 	snop  }
0x7: {  	_ = 	snop  }
__scs_overlays_trampoline_lowered:
0x8: {  	[smem:$0x3FAB] =	sst s0  }
0x9: {  	[smem:$0x3FAC] =	sst s1  }
0xa: {  	[smem:$0x3FAD] =	sst s2  }
0xb: {  	[smem:$0x3FAE] =	sst s3  }
0xc: {  	[smem:$0x3FAF] =	sst s4  }
0xd: {  	[smem:$0x3FB0] =	sst s5  }
0xe: {  	[smem:$0x3FB1] =	sst s6  }
0xf: {  	[smem:$0x3FB2] =	sst s7  }
0x10: {  	[smem:$0x3FB3] =	sst s8  }
0x11: {  	[smem:$0x3FB4] =	sst s9;
	s0 =	simm.s32 @!p0 $0x0  }
0x12: {  	s1 =	sld [smem:$0x3F9A];
	s0 =	simm.s32 @p0 $0x1  }
0x13: {  	[smem:$0x3FB5] =	sst s0;
	s0 =	simm.s32 @!p1 $0x0  }
0x14: {  	s2 =	sld [smem:$0x3F99];
	s0 =	simm.s32 @p1 $0x1  }
0x15: {  	[smem:$0x3FB6] =	sst s0;
	s0 =	simm.s32 @!p2 $0x0  }
0x16: {  	s3 =	sld [smem:$0x3FDB];
	s0 =	simm.s32 @p2 $0x1  }
0x17: {  	s4 =	simm.s32 $0x1BF5;
	[smem:$0x3FB8] =	sst s0  }
0x18: {  	s0 =	sld [smem:$0x3F9B];
	_ =	swait.ge [sflag:s4], $0x0  }
0x19: {  	s7 =	sld [smem:$0x3F9C]  }
0x1a: {  	s8 =	sadd.s32 $0xFFFFE003, lr  }
0x1b: {  	s9 =	sadd.s32 $0xFFFFFEF7, lr;
	s5 =	simm.s32 $0xFFFFFFFF;
	p2 =	slt.u32 s8, $0xFFFFF086  }
0x1c: {  	p1 =	slt.u32 s9, $0xF7A;
	s5 =	simm.s32 @!p2 $0x0  }
0x1d: {  	s5 =	simm.s32 @p1 $0x1;
	p0 =	seq.s32 s7, s2  }
0x1e: {  	s7 =	smul.u32 @!p0 $0xF7A, s2;
	p2 =	seq.s32 @!p0 s5, $0x0  }
0x1f: {  	s9 =	smul.u32 $0xF7A, s1;
	s8 =	simm.s32 @!p0 $0x1BF5;
	p2 =	por !p2, p0  }
0x20: {  	[sflag:s8] =	ssyncset.s32 @!p0 $0xFFFFF086;
	s6 =	sadd.s32 @!p0 s3, s7;
	s7 =	simm.s32 @!p0 $0x108  }
0x21: {  	s3 =	sadd.s32 s3, s9;
	s6 =	sadd.s32 @!p0 $0x88, s6;
	s7 =	simm.s32 @p2 $0x1082  }
0x22: {  	[simem:s7], [sflag:s8] =	dma.local @!p0 [hbm:s6], $0xF7A  }
0x23: {  	s9 =	sor.u32 $0xD0000000, s2;
	s6 =	simm.s32 $0x108;
	_ =	swait.ge @!p0 [sflag:s8], $0x0  }
0x24: {  	s3 =	sadd.s32 $0x88, s3;
	s6 =	simm.s32 @!p1 $0x1082;
	[sflag:s4] =	ssyncset.s32 $0xFFFFF086  }
0x25: {  	[simem:s6], [sflag:s4] =	dma.local [hbm:s3], $0xF7A  }
0x26: {  	[smem:$0x3F9C] =	sst s1;
	(tag) =	ssettag s2;
	_ =	strace s9  }
0x27: {  	s1 =	sld [smem:$0x3FAC]  }
0x28: {  	s2 =	sld [smem:$0x3FAD]  }
0x29: {  	s4 =	sld [smem:$0x3FAF]  }
0x2a: {  	p0 =	seq.s32 s5, $0x0;
	s5 =	sld [smem:$0x3FB0]  }
0x2b: {  	s6 =	sld [smem:$0x3FB1]  }
0x2c: {  	s7 =	sld [smem:$0x3FB2]  }
0x2d: {  	s3 =	simm.s32 $0x108;
	s8 =	sld [smem:$0x3FB3]  }
0x2e: {  	s3 =	simm.s32 @!p0 $0x1082;
	s9 =	sld [smem:$0x3FB4]  }
0x2f: {  	lr =	sadd.s32 s0, s3;
	s0 =	sld [smem:$0x3FAB]  }
0x30: {  	s3 =	sld [smem:$0x3FAE]  }
0x31: {  	[smem:$0x3FB7] =	sst s10  }
0x32: {  	s10 =	sld [smem:$0x3FB5];
	_ =	sdelay $0x3  }
0x33: {  	p0 =	seq.s32 s10, $0x1;
	s10 =	sld [smem:$0x3FB7];
	_ =	sdelay $0x3  }
0x34: {  	[smem:$0x3FB7] =	sst s10  }
0x35: {  	s10 =	sld [smem:$0x3FB6];
	_ =	sdelay $0x3  }
0x36: {  	p1 =	seq.s32 s10, $0x1;
	s10 =	sld [smem:$0x3FB7];
	_ =	sdelay $0x3  }
0x37: {  	[smem:$0x3FB7] =	sst s10  }
0x38: {  	s10 =	sld [smem:$0x3FB8]  }
0x39: {  	_ = 	snop;
	(pc) =	sbr.ind lr, $3  }
0x3a: {  	_ = 	snop  }
0x3b: {  	_ = 	snop  }
0x3c: {  	p2 =	seq.s32 s10, $0x1;
	s10 =	sld [smem:$0x3FB7]  }
0x3d: {  	_ =	shalt  }
0x3e: {  	_ =	shalt  }
0x3f: {  	_ =	shalt  }
0x40: {  	_ =	shalt  }
0x41: {  	_ =	shalt  }
0x42: {  	_ =	shalt  }
0x43: {  	_ =	shalt  }
0x44: {  	_ =	shalt  }
0x45: {  	_ =	shalt  }
0x46: {  	_ =	shalt  }
0x47: {  	_ =	shalt  }
0x48: {  	_ =	shalt  }
0x49: {  	_ =	shalt  }
0x4a: {  	_ =	shalt  }
0x4b: {  	_ =	shalt  }
0x4c: {  	_ =	shalt  }
0x4d: {  	_ =	shalt  }
0x4e: {  	_ =	shalt  }
0x4f: {  	_ =	shalt  }
0x50: {  	_ =	shalt  }
0x51: {  	_ =	shalt  }
0x52: {  	_ =	shalt  }
0x53: {  	_ =	shalt  }
0x54: {  	_ =	shalt  }
0x55: {  	_ =	shalt  }
0x56: {  	_ =	shalt  }
0x57: {  	_ =	shalt  }
0x58: {  	_ =	shalt  }
0x59: {  	_ =	shalt  }
0x5a: {  	_ =	shalt  }
0x5b: {  	_ =	shalt  }
0x5c: {  	_ =	shalt  }
0x5d: {  	_ =	shalt  }
0x5e: {  	_ =	shalt  }
0x5f: {  	_ =	shalt  }
0x60: {  	_ =	shalt  }
0x61: {  	_ =	shalt  }
0x62: {  	_ =	shalt  }
0x63: {  	_ =	shalt  }
0x64: {  	_ =	shalt  }
0x65: {  	_ =	shalt  }
0x66: {  	_ =	shalt  }
0x67: {  	_ =	shalt  }
0x68: {  	_ =	shalt  }
0x69: {  	_ =	shalt  }
0x6a: {  	_ =	shalt  }
0x6b: {  	_ =	shalt  }
0x6c: {  	_ =	shalt  }
0x6d: {  	_ =	shalt  }
0x6e: {  	_ =	shalt  }
0x6f: {  	_ =	shalt  }
0x70: {  	_ =	shalt  }
0x71: {  	_ =	shalt  }
0x72: {  	_ =	shalt  }
0x73: {  	_ =	shalt  }
0x74: {  	_ =	shalt  }
0x75: {  	_ =	shalt  }
0x76: {  	_ =	shalt  }
0x77: {  	_ =	shalt  }
0x78: {  	_ =	shalt  }
0x79: {  	_ =	shalt  }
0x7a: {  	_ =	shalt  }
0x7b: {  	_ =	shalt  }
0x7c: {  	_ =	shalt  }
0x7d: {  	_ =	shalt  }
0x7e: {  	_ =	shalt  }
0x7f: {  	_ =	shalt  }
0x80: {  	_ =	shalt  }
0x81: {  	_ =	shalt  }
0x82: {  	_ =	shalt  }
0x83: {  	_ =	shalt  }
0x84: {  	_ =	shalt  }
0x85: {  	_ =	shalt  }
0x86: {  	_ =	shalt  }
0x87: {  	_ =	shalt  }
.Lfunc_end0:
.L_simem_size_0:
called_computation_lowered:
.L_overlay_start_0:
0x88: {  	s2 =	sld [smem:$0x3FD9]  }
0x89: {  	s3 =	sld [smem:$0x3FFE];
	_ =	sdelay $0x1  }
0x8a: {  	s1 =	srdreg.scid  }
0x8b: {  	s0 =	sand.u32 $0x1, s1  }
0x8c: {  	s16 =	sshll.u32 s0, $0xA;
	s2 =	sadd.s32 s3, s2  }
0x8d: {  	s2 =	sadd.s32 s2, s16  }
0x8e: {  	[smem:$0x3FC3] =	sst s2  }
0x8f: {  	_ = 	snop  }
0x90: {  	(tm) =	ssettm $0x1  }
0x91: {  	s17 =	sld [smem:$0x3FFB];
	_ =	sdelay $0x3  }
0x92: {  	_ =	strace s17  }
0x93: {  	s2 =	sld [smem:$0x3FFC];
	_ =	sdelay $0x3  }
0x94: {  	_ =	strace s2  }
0x95: {  	s2 =	sld [smem:$0x3FFD];
	_ =	sdelay $0x3  }
0x96: {  	_ =	strace s2  }
0x97: {  	_ =	strace $0x8FFFFFFF  }
0x98: {  	s18 =	sld [smem:$0x3FDB];
	_ =	sdelay $0x1  }
0x99: {  	s19 =	simm.s32 $_scs_section_size  }
0x9a: {  	s4 =	simm.s32 $_size__tile_overlayer_lowered;
	s5 =	simm.s32 $_tile_overlayer_lowered  }
0x9b: {  	s22 =	simm.s32 $0x1BFF;
	s21 =	sshll.u32 s5, $0x1;
	s2 =	sadd.s32 s19, s18  }
0x9c: {  	s6 =	simm.s32 $0x0;
	s20 =	sshll.u32 s4, $0x1;
	s4 =	sadd.s32 s21, s2  }
0x9d: {  	[timem:s6], [sflag:s22] =	dma.local [hbm:s4], s20  }
0x9e: {  	_ =	swait.ge [sflag:s22], s20  }
0x9f: {  	s3 =	ssub.s32 $0x0, s20;
	[sflag:s22] =	ssyncset.done $0x0  }
0xa0: {  	[sflag:s22] =	ssyncadd.s32 s3;
	_ =	sdelay $0x1  }
0xa1: {  	s23 =	simm.s32 $0x1B8B  }
0xa2: {  	_ =	swait.ge [sflag:s23], $0x1  }
0xa3: {  	[sflag:s23] =	ssyncset.done $0x0  }
0xa4: {  	s25 =	simm.s32 $0x1B8E;
	s24 =	sld [smem:$0x3FFE];
	[sflag:s23] =	ssyncadd.s32 $0xFFFFFFFF  }
0xa5: {  	s26 =	simm.s32 $execute0_lowered;
	[smem:$0x3FD2] =	sst s25  }
0xa6: {  	s4 =	sshll.u32 s26, $0x1;
	_ =	strace $0x80000046;
	[dreg:$0x1] =	wrdreg $0xFFFFFFFF  }
0xa7: {  	s28 =	simm.s32 $_size_execute0_lowered;
	s2 =	sadd.s32 s2, s4;
	[dreg:$0x0] =	wrdreg $0x0  }
0xa8: {  	s4 =	sshll.u32 s28, $0x1;
	[dreg:$0x2] =	wrdreg s2  }
0xa9: {  	[dreg:$0x3] =	wrdreg s4  }
0xaa: {  	[dreg:$0x4] =	wrdreg $0xC0  }
0xab: {  	_ =	task [dreg:s6], $0x5FFFF  }
0xac: {  	[dreg:$0x1] =	wrdreg $0xFFFFFFFF  }
0xad: {  	[dreg:$0x0] =	wrdreg $0x60  }
0xae: {  	[dreg:$0x2] =	wrdreg s24  }
0xaf: {  	[dreg:$0x3] =	wrdreg $0xFD000  }
0xb0: {  	[dreg:$0x4] =	wrdreg $0x9  }
0xb1: {  	_ =	task.clear_ibuf [dreg:s6], $0x5FFFF;
	_ =	strace $0x90000046  }
0xb2: {  	s29 =	simm.s32 $0x9;
	_ =	strace $0x80000048  }
0xb3: {  	_ =	swait.ge [sflag:s29], $0x1  }
0xb4: {  	[sflag:s29] =	ssyncadd.s32 $0xFFFFFFFF  }
0xb5: {  	_ =	strace $0x90000048  }
0xb6: {  	_ =	sfence  }
0xb7: {  	s30 =	sld [smem:$0x0];
	_ =	sdelay $0x2  }
0xb8: {  	s31 =	sshll.u32 s1, $0xD;
	s1 =	sshrl.u32 s1, $0x2  }
0xb9: {  	s3 =	sand.u32 $0x4000, s31;
	s1 =	sadd.s32 s1, s30  }
0xba: {  	s0 =	sor.u32 s3, s0;
	s1 =	sshll.u32 s1, $0x11  }
0xbb: {  	s0 =	sor.u32 s1, s0  }
0xbc: {  	s0 =	sadd.s32 $0x8F2B, s0  }
0xbd: {  	[sflag:s0] =	ssyncadd.remote.s32 $0x1  }
0xbe: {  	_ =	sfence.sel $0xFFFF  }
0xbf: {  	[dreg:$0x0] =	wrdreg $0xFFFFFFFF;
	(pc) =	sbr.abs _section_cstart, $3  }
0xc0: {  	[dreg:$0x1] =	wrdreg $0xFFFFFFFF  }
0xc1: {  	_ =	task.clear_ibuf [dreg:s6], $0x2FFFF;
	_ =	strace $0x9FFFFFFF  }
0xc2: {  	(tm) =	ssettm $0x7FFFFFFF  }
0xc3: {  	_ =	shalt  }
tec
execute0_lowered:
.L_overlay_start_1:
0x0: {  	(tag) =	ssettag $0x1  }
0x1: {  	s4 =	rddreg [dreg:$0x0]  }
0x2: {  	s1 =	rddreg [dreg:$0x1]  }
0x3: {  	s2 =	srdreg.scid;
	s0 =	rddreg [dreg:$0x2]  }
0x4: {  	s3 =	stileid.u32;
	s18 =	simm.s32 $0x9D00;
	s19 =	simm.s32 $0x1  }
0x5: {  	s20 =	simm.s32 $0x80;
	s21 =	simm.s32 $0x9C80;
	s7 =	smul.u32 $0x9D0, s3  }
0x6: {  	s24 =	simm.s32 $0x0;
	s5 =	sand.u32 $0x1, s2;
	s30 =	smul.u32 $0x28000, s3  }
0x7: {  	s2 =	simm.s32 $0x0;
	s13 =	sadd.s32 $0x3B600, s4;
	s15 =	smul.u32 $0x9C00, s3  }
0x8: {  	s23 =	sadd.s32 $0x9C000, s1;
	p0 =	sne.s32 s3, $0x0;
	s6 =	smul.u32 $0x13880, s5  }
0x9: {  	[smem:$0x7FF] =	sst s2;
	s31 =	ssub.s32 $0x2, s5;
	s12 =	smul.u32 $0x9C400, s5  }
0xa: {  	s23 =	sshrl.u32 @!p0 s23, $0x3;
	_ =	strace $0x80000047;
	s7 =	sadd.s32 s7, s4  }
0xb: {  	s8 =	sshrl.u32 s31, $0x1;
	s22 =	sadd.s32 s15, s1;
	s11 =	sadd.s32 s6, s4  }
0xc: {  	s6 =	sshrl.u32 s30, $0x2;
	s14 =	ssub.s32 s31, s8;
	s5 =	sadd.s32 $0x31800, s7  }
0xd: {  	s16 =	sadd.s32 s15, s12;
	s17 =	sshrl.u32 s12, $0x3;
	s15 =	simm.s32 $0x2  }
0xe: {  	s22 =	sshrl.u32 s22, $0x3;
	s4 =	sadd.s32 s6, s1;
	s6 =	sadd.s32 $0x27A00, s7  }
0xf: {  	s16 =	sshrl.u32 s16, $0x3;
	s11 =	sadd.s32 $0x800, s11;
	s14 =	smax.u32 s14, $0x1  }
0x10: {  	s7 =	sadd.s32 $0x2000, s4;
	s8 =	sadd.s32 $0x4000, s4;
	s9 =	sadd.s32 $0x6000, s4  }
0x11: {  	s10 =	sadd.s32 $0x8000, s4;
	s12 =	sadd.s32 s13, s16;
	s13 =	sadd.s32 s13, s17  }
0x12: {  	v0 =	vimm.f32 $0.0e+00;
	s16 =	simm.s32 $0x4E80;
	s17 =	simm.s32 $0xDD00;
	s13 =	sadd.s32 $0x13800, s13  }
.LBB2_1:
0x13: {  	[tilespmem:s2], [sflag:$0x2] =	stream.linear.gather [hbm4b:s5+s2], $0x4E80, $0x38;
	[tilespmem:$0x19D00] =	vst v63  }
0x14: {  	_ =	swait.ge [sflag:s15], $0x4E80  }
0x15: {  	[sflag:s15] =	ssyncset.done $0x0  }
0x16: {  	[sflag:s15] =	ssyncadd.s32 $0xFFFFB180  }
0x17: {  	[tilespmem:s16], [sflag:$0x2] =	stream.linear.gather [hbm4b:s6+s2], $0x4E80, $0x38;
	[tilespmem:$0x19D00] =	vst v63  }
0x18: {  	_ =	swait.ge [sflag:s15], $0x4E80  }
0x19: {  	[sflag:s15] =	ssyncset.done $0x0  }
0x1a: {  	s26 =	simm.s32 $0x100;
	s25 =	simm.s32 $0x0;
	[sflag:s15] =	ssyncadd.s32 $0xFFFFB180  }
.LBB2_2:
0x1b: {  	p1 =	sne.s32 s26, $0x7F00;
	[tilespmem:s25+$0xDD30] =	vst v0;
	s28 =	smov.u32 s26;
	s26 =	sadd.s32 $0x100, s26  }
.Ltmp0:
0x1c: {  	[tilespmem:s25+$0xDD20] =	vst v0;
	(pc) =	sbr.rel @p1 .LBB2_2-.Ltmp0, $3  }
0x1d: {  	[tilespmem:s25+$0xDD00] =	vst v0  }
0x1e: {  	[tilespmem:s25+$0xDD10] =	vst v0;
	_ =	sdelay $0x1  }
0x1f: {  	s25 =	sshra.s32 s28, $0x2  }
0x20: {  	[tilespmem:s25+$0xDD30] =	vst v0  }
0x21: {  	[tilespmem:s25+$0xDD20] =	vst v0  }
0x22: {  	[tilespmem:s25+$0xDD00] =	vst v0  }
0x23: {  	[tilespmem:s25+$0xDD10] =	vst v0  }
0x24: {  	[spmem:s4] =	stream.linear.scatter [tilespmem:s17], [sflag:$0x2], $0x2000, $0x38;
	[tilespmem:$0x19D00] =	vst v63  }
0x25: {  	_ =	swait.ge [sflag:s15], $0x2000  }
0x26: {  	[sflag:s15] =	ssyncset.done $0x0  }
0x27: {  	[sflag:s15] =	ssyncadd.s32 $0xFFFFE000  }
0x28: {  	[spmem:s7] =	stream.linear.scatter [tilespmem:s17], [sflag:$0x2], $0x2000, $0x38;
	[tilespmem:$0x19D00] =	vst v63  }
0x29: {  	_ =	swait.ge [sflag:s15], $0x2000  }
0x2a: {  	[sflag:s15] =	ssyncset.done $0x0  }
0x2b: {  	[sflag:s15] =	ssyncadd.s32 $0xFFFFE000  }
0x2c: {  	[spmem:s8] =	stream.linear.scatter [tilespmem:s17], [sflag:$0x2], $0x2000, $0x38;
	[tilespmem:$0x19D00] =	vst v63  }
0x2d: {  	_ =	swait.ge [sflag:s15], $0x2000  }
0x2e: {  	[sflag:s15] =	ssyncset.done $0x0  }
0x2f: {  	[sflag:s15] =	ssyncadd.s32 $0xFFFFE000  }
0x30: {  	[spmem:s9] =	stream.linear.scatter [tilespmem:s17], [sflag:$0x2], $0x2000, $0x38;
	[tilespmem:$0x19D00] =	vst v63  }
0x31: {  	_ =	swait.ge [sflag:s15], $0x2000  }
0x32: {  	[sflag:s15] =	ssyncset.done $0x0  }
0x33: {  	[sflag:s15] =	ssyncadd.s32 $0xFFFFE000  }
0x34: {  	[spmem:s10] =	stream.linear.scatter [tilespmem:s17], [sflag:$0x2], $0x2000, $0x38;
	[tilespmem:$0x19D00] =	vst v63  }
0x35: {  	_ =	swait.ge [sflag:s15], $0x2000  }
0x36: {  	[sflag:s15] =	ssyncset.done $0x0  }
0x37: {  	[sflag:s15] =	ssyncadd.s32 $0xFFFFE000  }
0x38: {  	s31 =	simm.s32 $0x80;
	s26 =	simm.s32 $0x8000;
	[bflag:$0x0] =	sbarrier.arrive $0xFFFF  }
0x39: {  	[tilespmem:s18], [sflag:$0x1] =	stream.indirect.gather [hbm4b:s11+s31], $0x40, s2, s31, $0xb8;
	[tilespmem:$0x19D00] =	vst v63  }
0x3a: {  	s26 =	sand.u32 $0x8000, s26;
	_ =	swait.ge [sflag:s19], $0x2000  }
0x3b: {  	s28 =	simm.s32 $0x0;
	s26 =	sshrl.u32 s26, $0x2;
	[sflag:s19] =	ssyncset.done $0x0  }
0x3c: {  	s28 =	sand.u32 $0x8000, s28;
	s26 =	sor.u32 $0x9D00, s26;
	[sflag:s19] =	ssyncadd.s32 $0xFFFFE000  }
0x3d: {  	[tilespmem:s26], [sflag:$0x1] =	stream.indirect.gather [hbm4b:s11+s20], $0x40, s31, s20, $0xb8;
	[tilespmem:$0x19D00] =	vst v63  }
0x3e: {  	s26 =	sshrl.u32 s28, $0x2  }
0x3f: {  	s31 =	simm.s32 $0x4E80;
	s25 =	sor.u32 $0x9D00, s26  }
0x40: {  	[spmem:s1] =	stream.indirect.scatter.add.f32 [tilespmem:s25], [sflag:$0x2], $0x40, s31, s20, $0xb8;
	[tilespmem:$0x19D00] =	vst v63  }
0x41: {  	_ =	swait.ge [sflag:s15], $0x2000  }
0x42: {  	s28 =	simm.s32 $0x10000;
	[sflag:s15] =	ssyncset.done $0x0  }
0x43: {  	s29 =	simm.s32 $0x18000;
	s30 =	sand.u32 $0x8000, s28;
	[sflag:s15] =	ssyncadd.s32 $0xFFFFE000  }
0x44: {  	s26 =	simm.s32 $0x4F00;
	s25 =	simm.s32 $0x100;
	_ =	swait.ge [sflag:s19], $0x2000  }
.LBB2_4:
0x45: {  	s30 =	sshrl.u32 s30, $0x2  }
0x46: {  	s31 =	sadd.s32 $0xFFFF8000, s28;
	[sflag:s19] =	ssyncset.done $0x0;
	s28 =	smov.u32 s29  }
0x47: {  	s30 =	sor.u32 $0x9D00, s30;
	s31 =	sand.u32 $0x8000, s31;
	[sflag:s19] =	ssyncadd.s32 $0xFFFFE000  }
0x48: {  	[tilespmem:s30], [sflag:$0x1] =	stream.indirect.gather [hbm4b:s11+s20], $0x40, s25, s20, $0xb8;
	[tilespmem:$0x19D00] =	vst v63  }
0x49: {  	p1 =	sne.s32 s29, $0x4E0000;
	s29 =	sadd.s32 $0x8000, s29;
	s30 =	sshrl.u32 s31, $0x2  }
0x4a: {  	s30 =	sor.u32 $0x9D00, s30  }
0x4b: {  	[spmem:s1] =	stream.indirect.scatter.add.f32 [tilespmem:s30], [sflag:$0x2], $0x40, s26, s20, $0xb8;
	[tilespmem:$0x19D00] =	vst v63  }
.Ltmp1:
0x4c: {  	_ = 	snop;
	(pc) =	sbr.rel @p1 .LBB2_4-.Ltmp1, $4  }
0x4d: {  	_ =	swait.ge [sflag:s15], $0x2000  }
0x4e: {  	[sflag:s15] =	ssyncset.done $0x0  }
0x4f: {  	s25 =	sadd.s32 $0x80, s25;
	[sflag:s15] =	ssyncadd.s32 $0xFFFFE000  }
0x50: {  	s30 =	sand.u32 $0x8000, s28;
	s26 =	sadd.s32 $0x80, s26;
	_ =	swait.ge [sflag:s19], $0x2000  }
0x51: {  	s29 =	sshrl.u32 s30, $0x2;
	s28 =	sadd.s32 $0xFFFF8000, s28;
	[sflag:s19] =	ssyncset.done $0x0  }
0x52: {  	s29 =	sor.u32 $0x9D00, s29;
	s28 =	sand.u32 $0x8000, s28;
	[sflag:s19] =	ssyncadd.s32 $0xFFFFE000  }
0x53: {  	[tilespmem:s29], [sflag:$0x1] =	stream.indirect.gather [hbm4b:s11+s20], $0x40, s25, s20, $0xb8;
	[tilespmem:$0x19D00] =	vst v63  }
0x54: {  	s30 =	sshrl.u32 s28, $0x2  }
0x55: {  	s25 =	sor.u32 $0x9D00, s30  }
0x56: {  	[spmem:s1] =	stream.indirect.scatter.add.f32 [tilespmem:s25], [sflag:$0x2], $0x40, s26, s20, $0xb8;
	[tilespmem:$0x19D00] =	vst v63  }
0x57: {  	_ =	swait.ge [sflag:s15], $0x2000  }
0x58: {  	[sflag:s15] =	ssyncset.done $0x0  }
0x59: {  	[sflag:s15] =	ssyncadd.s32 $0xFFFFE000  }
0x5a: {  	_ =	swait.ge [sflag:s19], $0x2000  }
0x5b: {  	[sflag:s19] =	ssyncset.done $0x0  }
0x5c: {  	[sflag:s19] =	ssyncadd.s32 $0xFFFFE000  }
0x5d: {  	[spmem:s1] =	stream.indirect.scatter.add.f32 [tilespmem:s18], [sflag:$0x2], $0x40, s21, s20, $0xb8;
	[tilespmem:$0x19D00] =	vst v63  }
0x5e: {  	_ =	swait.ge [sflag:s15], $0x2000  }
0x5f: {  	[sflag:s15] =	ssyncset.done $0x0  }
0x60: {  	s31 =	sshll.u32 s3, $0x6;
	[sflag:s15] =	ssyncadd.s32 $0xFFFFE000  }
0x61: {  	s25 =	sor.u32 $0x1C02, s31;
	[bflag:$0x0] =	sbarrier.arrive $0xFFFF  }
0x62: {  	[hbm:s12], [sflag:s25] =	dma.local [spmem:s22], $0x1380  }
0x63: {  	_ =	swait.ge [sflag:s15], $0x1380  }
0x64: {  	s24 =	sadd.s32 $0x1, s24;
	[sflag:s15] =	ssyncset.done $0x0  }
0x65: {  	p1 =	sne.s32 s24, s14;
	[sflag:s15] =	ssyncadd.s32 $0xFFFFEC80  }
0x66: {  	[hbm:s13], [sflag:s25] =	dma.local @!p0 [spmem:s23], $0x80  }
.Ltmp2:
0x67: {  	_ = 	snop;
	(pc) =	sbr.rel @p1 .LBB2_1-.Ltmp2, $4  }
0x68: {  	s25 =	simm.s32 @!p0 $0x2  }
0x69: {  	_ =	swait.ge @!p0 [sflag:s25], $0x80  }
0x6a: {  	[sflag:s25] =	ssyncset.done @!p0 $0x0  }
0x6b: {  	[sflag:s25] =	ssyncadd.s32 @!p0 $0xFFFFFF80  }
0x6c: {  	_ =	sfence.sel $0x180000  }
0x6d: {  	[bflag:$0x0] =	sbarrier.arrive $0xFFFF  }
0x6e: {  	_ =	strace $0x90000047  }
0x6f: {  	s0 =	sadd.s32 @!p0 $0x100000, s0;
	[bflag:$0x2] =	sbarrier.arrive $0xFFFF  }
0x70: {  	[sflag:s0] =	ssyncadd.tile.s32 @!p0 $0x1;
	_ =	shalt  }
.Lfunc_end2:
_tile_overlayer_lowered:
.L_overlay_start_2:
0x71: {  	(tag) =	ssettag $0x2  }
0x72: {  	s0 =	rddreg [dreg:$0x0];
	s2 =	stileid.u32  }
0x73: {  	s1 =	rddreg [dreg:$0x1];
	p0 =	sne.s32 s2, $0x0  }
0x74: {  	s3 =	rddreg [dreg:$0x2];
	[bflag:$0x3] =	sbarrier.arrive $0xFFFF;
	s2 =	simm.s32 @!p0 $0x1C02  }
0x75: {  	[timem:s3], [sflag:s2] =	dma.local @!p0 [hbm:s0], s1  }
0x76: {  	s0 =	simm.s32 @!p0 $0x2  }
0x77: {  	_ =	swait.ge @!p0 [sflag:s0], s1  }
0x78: {  	s1 =	ssub.s32 @!p0 $0x0, s1;
	[sflag:s0] =	ssyncset.done @!p0 $0x0  }
0x79: {  	[sflag:s0] =	ssyncadd.s32 @!p0 s1  }
0x7a: {  	[bflag:$0x3] =	sbarrier.arrive $0xFFFF  }
0x7b: {  	_ =	shalt  }

</sc_bundles>
